<compile_context>
chip_gen: v7x
topology: tpu7x:2x2x1
jax: 0.10.2.dev20260603
libtpu: 0.0.44.dev20260713+nightly
codegen_flags: <defaults>
</compile_context>

<pallas_src>
import functools

import jax
import jax.numpy as jnp
from jax import lax
from jax.experimental import pallas as pl
from jax.experimental.pallas import tpu as pltpu
from jax.experimental.pallas import tpu_sc as plsc

P_BUF = 32768
P_NEW = 4096
MAX_SEQS = 16
NS = 16
CH_Q = P_BUF // NS
CH_T = P_NEW // NS
W_SUP = CH_Q + P_NEW + 8
COMB = W_SUP + P_NEW
SL_Q = P_BUF // NS
SL_N = P_NEW // NS

_mesh = plsc.VectorSubcoreMesh(core_axis_name="c", subcore_axis_name="s",
                               num_cores=1)


def _extract(vec, lane, k):
  return jnp.sum(jnp.where(lane == k, vec, 0))


@functools.partial(
    pl.kernel,
    out_type=(
        jax.ShapeDtypeStruct((P_NEW,), jnp.int32),
        jax.ShapeDtypeStruct((P_NEW,), jnp.int32),
        jax.ShapeDtypeStruct((P_BUF,), jnp.int32),
        jax.ShapeDtypeStruct((P_BUF,), jnp.int32),
        jax.ShapeDtypeStruct((16,), jnp.int32),
    ),
    mesh=_mesh,
    compiler_params=pltpu.CompilerParams(needs_layout_passes=False),
    scratch_types=[
        pltpu.VMEM((SL_Q,), jnp.int32),
        pltpu.VMEM((SL_N,), jnp.int32),
        pltpu.VMEM((16,), jnp.int32),
        pltpu.VMEM((64,), jnp.int32),
        pltpu.VMEM_SHARED((NS * 64,), jnp.int32),
        pltpu.VMEM((NS * 64,), jnp.int32),
        pltpu.VMEM((COMB,), jnp.int32),
        pltpu.VMEM((COMB,), jnp.int32),
        pltpu.VMEM((CH_T,), jnp.int32),
        pltpu.VMEM((CH_T,), jnp.int32),
        pltpu.VMEM((CH_Q,), jnp.int32),
        pltpu.VMEM((CH_Q,), jnp.int32),
        pltpu.VMEM((CH_T,), jnp.int32),
        pltpu.VMEM((CH_T,), jnp.int32),
        pltpu.VMEM((16,), jnp.int32),
        pltpu.SemaphoreType.DMA,
        pltpu.SemaphoreType.DMA,
        pltpu.SemaphoreType.DMA,
        pltpu.SemaphoreType.DMA,
        pltpu.SemaphoreType.DMA,
    ],
)
def _sched_kernel(qt_hbm, qs_hbm, nt_hbm, ns_hbm, sc_hbm,
                  tok_out, sid_out, qtn_out, qsn_out, st_out,
                  qsl_v, nsl_v, sc_v, part_v, shared_st, rbuf,
                  comb_t, comb_s, pq_t, pq_s,
                  bufq_t, bufq_s, buft_t, buft_s, st_v,
                  sem_sc, sem_sl, sem_w, sem_w2, sem_out):
  s = lax.axis_index("s")
  wid = s
  lane = lax.broadcasted_iota(jnp.int32, (16,), 0)

  h_sc = pltpu.async_copy(sc_hbm, sc_v, sem_sc)
  sl_q0 = pl.multiple_of(s * SL_Q, 8)
  sl_n0 = pl.multiple_of(s * SL_N, 8)
  h_sl1 = pltpu.async_copy(qs_hbm.at[pl.ds(sl_q0, SL_Q)], qsl_v, sem_sl)
  h_sl2 = pltpu.async_copy(ns_hbm.at[pl.ds(sl_n0, SL_N)], nsl_v, sem_sl)

  qbase = pl.multiple_of(wid * CH_Q, 8)
  tbase = pl.multiple_of(wid * CH_T, 8)
  qa = pl.multiple_of(jnp.minimum(qbase, P_BUF - W_SUP), 8)
  sup_hs = (
      pltpu.async_copy(qt_hbm.at[pl.ds(qa, W_SUP)],
                       comb_t.at[pl.ds(0, W_SUP)], sem_w),
      pltpu.async_copy(qs_hbm.at[pl.ds(qa, W_SUP)],
                       comb_s.at[pl.ds(0, W_SUP)], sem_w),
  )
  small_hs = (
      pltpu.async_copy(nt_hbm, comb_t.at[pl.ds(W_SUP, P_NEW)], sem_w2),
      pltpu.async_copy(ns_hbm, comb_s.at[pl.ds(W_SUP, P_NEW)], sem_w2),
      pltpu.async_copy(qt_hbm.at[pl.ds(tbase, CH_T)], pq_t, sem_w2),
      pltpu.async_copy(qs_hbm.at[pl.ds(tbase, CH_T)], pq_s, sem_w2),
  )

  h_sl1.wait()
  h_sl2.wait()

  def bs_step(ref, t, n, lo, hi):
    active = lo < hi
    mid = lax.div(lo + hi, 2)
    v = plsc.load_gather(ref, [jnp.clip(mid, 0, n - 1)])
    cond = active & (v < t)
    return (jnp.where(cond, mid + 1, lo),
            jnp.where(active & (~cond), mid, hi))

  def bs_body(_, carry):
    (qh_lo, qh_hi), (ql_lo, ql_hi), (nh_lo, nh_hi), (nl_lo, nl_hi) = carry
    return (bs_step(qsl_v, lane + 1, SL_Q, qh_lo, qh_hi),
            bs_step(qsl_v, lane, SL_Q, ql_lo, ql_hi),
            bs_step(nsl_v, lane + 1, SL_N, nh_lo, nh_hi),
            bs_step(nsl_v, lane, SL_N, nl_lo, nl_hi))

  zero16 = jnp.zeros((16,), jnp.int32)
  init_q = jnp.full((16,), SL_Q, jnp.int32)
  init_n = jnp.full((16,), SL_N, jnp.int32)
  ((lbq_hi, _), (lbq_lo, _), (lbn_hi, _), (lbn_lo, _)) = lax.fori_loop(
      0, 12, bs_body,
      ((zero16, init_q), (zero16, init_q), (zero16, init_n), (zero16, init_n)))

  part_v[pl.ds(0, 16)] = lbq_lo
  part_v[pl.ds(16, 16)] = lbq_hi
  part_v[pl.ds(32, 16)] = lbn_lo
  part_v[pl.ds(48, 16)] = lbn_hi
  pltpu.sync_copy(part_v, shared_st.at[pl.ds(pl.multiple_of(s * 64, 8), 64)])
  plsc.subcore_barrier()
  pltpu.sync_copy(shared_st, rbuf)

  def red_body(t, carry):
    a, b, c, d = carry
    return (a + rbuf[pl.ds(t * 64, 16)],
            b + rbuf[pl.ds(t * 64 + 16, 16)],
            c + rbuf[pl.ds(t * 64 + 32, 16)],
            d + rbuf[pl.ds(t * 64 + 48, 16)])

  gq_lo, gq_hi, gn_lo, gn_hi = lax.fori_loop(
      0, NS, lambda t, c: red_body(t, c), (zero16, zero16, zero16, zero16))

  h_sc.wait()
  scal = sc_v[...]
  nq0 = _extract(scal, lane, 0)
  nn = _extract(scal, lane, 1)
  mt = _extract(scal, lane, 2)
  nq = nq0 + nn

  cq = jnp.minimum(gq_hi, nq0) - jnp.minimum(gq_lo, nq0)
  cn = jnp.minimum(gn_hi, nn) - jnp.minimum(gn_lo, nn)
  seg_lens = cq + cn
  fpq = jnp.where(cq > 0, gq_lo, P_BUF)
  fpn = jnp.where(cn > 0, nq0 + gn_lo, P_BUF)
  first_pos = jnp.minimum(fpq, fpn)

  _, lens_sorted = plsc.sort_key_val(first_pos, seg_lens)
  cums = plsc.cumsum(lens_sorted)
  full_mask = (cums <= mt) & (lens_sorted > 0)
  num_full = jnp.sum(full_mask.astype(jnp.int32))
  cand = jnp.max(jnp.where(full_mask, cums, 0))
  first_len = _extract(lens_sorted, lane, 0)
  take = jnp.where(num_full > 0, cand, jnp.minimum(first_len, mt))
  take = jnp.minimum(jnp.minimum(take, nq), mt)
  take = jnp.where(nq > 0, take, 0)
  remaining = nq - take

  for h in small_hs:
    h.wait()

  def t_body(j):
    o = tbase + (j * 16) + lane
    use_new = o >= nq0
    keep = o < take
    idxn = W_SUP + jnp.clip(o - nq0, 0, P_NEW - 1)
    tok = jnp.where(use_new, plsc.load_gather(comb_t, [idxn]),
                    pq_t[pl.ds(j * 16, 16)])
    sid = jnp.where(use_new, plsc.load_gather(comb_s, [idxn]),
                    pq_s[pl.ds(j * 16, 16)])
    buft_t[pl.ds(j * 16, 16)] = jnp.where(keep, tok, -1)
    buft_s[pl.ds(j * 16, 16)] = jnp.where(keep, sid, -1)

  plsc.parallel_loop(0, CH_T // 16, 1, unroll=4)(t_body)
  out_hs = [pltpu.async_copy(buft_t, tok_out.at[pl.ds(tbase, CH_T)], sem_out),
            pltpu.async_copy(buft_s, sid_out.at[pl.ds(tbase, CH_T)], sem_out)]

  for h in sup_hs:
    h.wait()
  d_q = take - qa
  d_n = W_SUP + take - nq0
  thr = nq0 - take
  half = CH_Q // 2

  def q_body(j):
    o = qbase + (j * 16) + lane
    keep = o < remaining
    idx = jnp.where(o >= thr,
                    jnp.clip(o + d_n, W_SUP, COMB - 1),
                    o + d_q)
    bufq_t[pl.ds(j * 16, 16)] = jnp.where(
        keep, plsc.load_gather(comb_t, [idx]), -1)
    bufq_s[pl.ds(j * 16, 16)] = jnp.where(
        keep, plsc.load_gather(comb_s, [idx]), -1)

  plsc.parallel_loop(0, half // 16, 1, unroll=8)(q_body)
  out_hs += [pltpu.async_copy(bufq_t.at[pl.ds(0, half)],
                              qtn_out.at[pl.ds(qbase, half)], sem_out),
             pltpu.async_copy(bufq_s.at[pl.ds(0, half)],
                              qsn_out.at[pl.ds(qbase, half)], sem_out)]
  plsc.parallel_loop(half // 16, CH_Q // 16, 1, unroll=8)(q_body)
  qb2 = pl.multiple_of(qbase + half, 8)
  out_hs += [pltpu.async_copy(bufq_t.at[pl.ds(half, half)],
                              qtn_out.at[pl.ds(qb2, half)], sem_out),
             pltpu.async_copy(bufq_s.at[pl.ds(half, half)],
                              qsn_out.at[pl.ds(qb2, half)], sem_out)]

  @pl.when(wid == 0)
  def _():
    st_v[...] = jnp.where(lane == 0, take, jnp.where(lane == 1, remaining, 0))
    pltpu.sync_copy(st_v, st_out)

  for h in out_hs:
    h.wait()


def kernel(queued_tokens, queued_seq_ids, new_tokens, new_seq_ids,
           num_queued_tokens, num_new_tokens, max_tokens):
  scalars = jnp.zeros((16,), jnp.int32)
  scalars = scalars.at[0].set(jnp.asarray(num_queued_tokens, jnp.int32))
  scalars = scalars.at[1].set(jnp.asarray(num_new_tokens, jnp.int32))
  scalars = scalars.at[2].set(jnp.asarray(max_tokens, jnp.int32))
  tok, sid, qtn, qsn, st = _sched_kernel(
      queued_tokens, queued_seq_ids, new_tokens, new_seq_ids, scalars)
  return tok, sid, qtn, qsn, st[0], st[1]

# --- scband reference (transcript-rebuilt; emitter-appended) ---
"""Pipeline reference for scband-jit-scheduler-81174881894555 (READ-ONLY COPY).

The authoritative reference and input builder live on the scoring server;
editing this copy changes nothing except your own understanding.
"""

import jax, jax.numpy as jnp
import numpy as np

MAX_SEQS = 16
P_BUF = 32768
P_NEW = 4096


def masked_set(dest, start, src, num_to_copy):
    # jit-safe masked memcpy: dest[start:start+num_to_copy] = src[:num_to_copy]
    n_src = src.shape[0]
    src_idx = jnp.arange(n_src, dtype=jnp.int32)
    dest_pos = jnp.where(src_idx >= num_to_copy, dest.shape[0], src_idx + start)
    gather_idx = jnp.where(src_idx >= num_to_copy, n_src, src_idx)
    vals = jnp.take(src, gather_idx, mode='clip')
    return dest.at[dest_pos].set(vals, mode='drop')


def setup_inputs(seed: int = 0) -> dict:
    key = jax.random.key(seed)
    k1, k2, k3, k4 = jax.random.split(key, 4)
    queued_tokens = jax.random.randint(k1, (P_BUF,), 0, 32000, dtype=jnp.int32)
    queued_seq_ids = jnp.sort(jax.random.randint(k2, (P_BUF,), 0, MAX_SEQS, dtype=jnp.int32))
    new_tokens = jax.random.randint(k3, (P_NEW,), 0, 32000, dtype=jnp.int32)
    new_seq_ids = jnp.sort(jax.random.randint(k4, (P_NEW,), 0, MAX_SEQS, dtype=jnp.int32))
    return {
        'queued_tokens': queued_tokens,
        'queued_seq_ids': queued_seq_ids,
        'new_tokens': new_tokens,
        'new_seq_ids': new_seq_ids,
        'num_queued_tokens': 16384,
        'num_new_tokens': 2048,
        'max_tokens': 4096,
    }


def reference(queued_tokens, queued_seq_ids, new_tokens, new_seq_ids,
              num_queued_tokens, num_new_tokens, max_tokens):
    # enqueue_tokens (update_after_sampling path)
    qt = masked_set(queued_tokens, num_queued_tokens, new_tokens, num_new_tokens)
    qs = masked_set(queued_seq_ids, num_queued_tokens, new_seq_ids, num_new_tokens)
    nq = num_queued_tokens + num_new_tokens

    # pack_next_sequence
    P = qt.shape[0]
    pos_idx = jnp.arange(P, dtype=jnp.int32)
    valid_mask = pos_idx < nq
    ids = jnp.where(valid_mask, qs, MAX_SEQS)  # out-of-range ids are dropped below
    ones = valid_mask.astype(jnp.int32)
    seg_lens = jax.ops.segment_sum(ones, ids, num_segments=MAX_SEQS)
    first_pos = jnp.full(MAX_SEQS, P, dtype=jnp.int32)
    first_pos = first_pos.at[ids].min(pos_idx, mode='drop')
    sorted_ids = jnp.argsort(first_pos)
    lens_sorted = seg_lens[sorted_ids]
    valid_sorted = lens_sorted > 0
    lens_masked = jnp.where(valid_sorted, lens_sorted, 0)
    cums = jnp.cumsum(lens_masked)
    full_mask = (cums <= max_tokens) & valid_sorted
    num_full = full_mask.sum()
    first_len = lens_masked[0]
    take_cnt = jnp.where(num_full > 0, cums[jnp.maximum(num_full - 1, 0)],
                         jnp.minimum(first_len, max_tokens))
    take_cnt = jnp.minimum(jnp.minimum(take_cnt, nq), max_tokens)
    take_cnt = jnp.where(nq > 0, take_cnt, 0).astype(jnp.int32)

    out_pos = jnp.arange(P_NEW, dtype=jnp.int32)
    tokens_out = jnp.where(out_pos < take_cnt, qt[:P_NEW], -1)
    seq_ids_out = jnp.where(out_pos < take_cnt, qs[:P_NEW], -1)

    # shift the queue left by take_cnt (remove consumed tokens)
    remaining = (nq - take_cnt).astype(jnp.int32)
    shift_idx = pos_idx + take_cnt
    qt_new = jnp.where(pos_idx < remaining, jnp.take(qt, shift_idx, mode='clip'), -1)
    qs_new = jnp.where(pos_idx < remaining, jnp.take(qs, shift_idx, mode='clip'), -1)

    return tokens_out, seq_ids_out, qt_new, qs_new, take_cnt, remaining

if __name__ == "__main__":
    import jax
    _d = setup_inputs()
    print(jax.jit(kernel)(*tuple(_d.values())))

</pallas_src>

<mosaic_0001>
#map = affine_map<(d0, d1) -> (0)>
module attributes {stable_mosaic.version = 14 : i64} {
  func.func @_sched_kernel(%arg0: i32, %arg1: i32, %arg2: memref<32768xi32, #tpu.memory_space<hbm>>, %arg3: memref<32768xi32, #tpu.memory_space<hbm>>, %arg4: memref<4096xi32, #tpu.memory_space<hbm>>, %arg5: memref<4096xi32, #tpu.memory_space<hbm>>, %arg6: memref<16xi32, #tpu.memory_space<hbm>>, %arg7: memref<4096xi32, #tpu.memory_space<hbm>>, %arg8: memref<4096xi32, #tpu.memory_space<hbm>>, %arg9: memref<32768xi32, #tpu.memory_space<hbm>>, %arg10: memref<32768xi32, #tpu.memory_space<hbm>>, %arg11: memref<16xi32, #tpu.memory_space<hbm>>, %arg12: memref<2048xi32, #tpu.memory_space<vmem>>, %arg13: memref<256xi32, #tpu.memory_space<vmem>>, %arg14: memref<16xi32, #tpu.memory_space<vmem>>, %arg15: memref<64xi32, #tpu.memory_space<vmem>>, %arg16: memref<1024xi32, #tpu.memory_space<vmem_shared>>, %arg17: memref<1024xi32, #tpu.memory_space<vmem>>, %arg18: memref<10248xi32, #tpu.memory_space<vmem>>, %arg19: memref<10248xi32, #tpu.memory_space<vmem>>, %arg20: memref<256xi32, #tpu.memory_space<vmem>>, %arg21: memref<256xi32, #tpu.memory_space<vmem>>, %arg22: memref<2048xi32, #tpu.memory_space<vmem>>, %arg23: memref<2048xi32, #tpu.memory_space<vmem>>, %arg24: memref<256xi32, #tpu.memory_space<vmem>>, %arg25: memref<256xi32, #tpu.memory_space<vmem>>, %arg26: memref<16xi32, #tpu.memory_space<vmem>>, %arg27: memref<!tpu.dma_semaphore, #tpu.memory_space<semaphore_mem>>, %arg28: memref<!tpu.dma_semaphore, #tpu.memory_space<semaphore_mem>>, %arg29: memref<!tpu.dma_semaphore, #tpu.memory_space<semaphore_mem>>, %arg30: memref<!tpu.dma_semaphore, #tpu.memory_space<semaphore_mem>>, %arg31: memref<!tpu.dma_semaphore, #tpu.memory_space<semaphore_mem>>) attributes {dimension_semantics = [#tpu.dimension_semantics<core_parallel>, #tpu.dimension_semantics<subcore_parallel>], iteration_bounds = array<i64: 1, 16>, scalar_prefetch = 0 : i64, scratch_operands = 20 : i64, tpu.core_type = #tpu.core_type<sc_vector_subcore>, window_params = [{transform_indices = #map}, {transform_indices = #map}, {transform_indices = #map}, {transform_indices = #map}, {transform_indices = #map}, {transform_indices = #map}, {transform_indices = #map}, {transform_indices = #map}, {transform_indices = #map}, {transform_indices = #map}]} {
    %iota3A = tpu.iota {dimensions = array<i32: 0>} : vector<16xi32>
    tpu.enqueue_dma source(%arg6 : memref<16xi32, #tpu.memory_space<hbm>>) target(%arg14 : memref<16xi32, #tpu.memory_space<vmem>>) target_semaphore(%arg27 : memref<!tpu.dma_semaphore, #tpu.memory_space<semaphore_mem>>)
    %mul3A = arith.constant 2048 : i32
    %mul3A_0 = arith.muli %arg1, %mul3A : i32
    %multiple_of3A = tpu.assume_multiple %mul3A_0, 8 : i32
    %mul3A_1 = arith.constant 256 : i32
    %mul3A_2 = arith.muli %arg1, %mul3A_1 : i32
    %multiple_of3A_3 = tpu.assume_multiple %mul3A_2, 8 : i32
    %dma_start3A = tpu.memref_slice %arg3[%multiple_of3A] : memref<32768xi32, #tpu.memory_space<hbm>> -> memref<2048xi32, #tpu.memory_space<hbm>>
    %dma_start3A_4 = tpu.memref_slice %arg3[%multiple_of3A] : memref<32768xi32, #tpu.memory_space<hbm>> -> memref<2048xi32, #tpu.memory_space<hbm>>
    tpu.enqueue_dma source(%dma_start3A_4 : memref<2048xi32, #tpu.memory_space<hbm>>) target(%arg12 : memref<2048xi32, #tpu.memory_space<vmem>>) target_semaphore(%arg28 : memref<!tpu.dma_semaphore, #tpu.memory_space<semaphore_mem>>)
    %dma_start3A_5 = tpu.memref_slice %arg5[%multiple_of3A_3] : memref<4096xi32, #tpu.memory_space<hbm>> -> memref<256xi32, #tpu.memory_space<hbm>>
    %dma_start3A_6 = tpu.memref_slice %arg5[%multiple_of3A_3] : memref<4096xi32, #tpu.memory_space<hbm>> -> memref<256xi32, #tpu.memory_space<hbm>>
    tpu.enqueue_dma source(%dma_start3A_6 : memref<256xi32, #tpu.memory_space<hbm>>) target(%arg13 : memref<256xi32, #tpu.memory_space<vmem>>) target_semaphore(%arg28 : memref<!tpu.dma_semaphore, #tpu.memory_space<semaphore_mem>>)
    %mul3A_7 = arith.constant 2048 : i32
    %mul3A_8 = arith.muli %arg1, %mul3A_7 : i32
    %multiple_of3A_9 = tpu.assume_multiple %mul3A_8, 8 : i32
    %mul3A_10 = arith.constant 256 : i32
    %mul3A_11 = arith.muli %arg1, %mul3A_10 : i32
    %multiple_of3A_12 = tpu.assume_multiple %mul3A_11, 8 : i32
    %min3A = arith.constant 26616 : i32
    %min3A_13 = arith.minsi %multiple_of3A_9, %min3A : i32
    %multiple_of3A_14 = tpu.assume_multiple %min3A_13, 8 : i32
    %dma_start3A_15 = arith.constant 0 : i32
    %dma_start3A_16 = tpu.memref_slice %arg18[%dma_start3A_15] : memref<10248xi32, #tpu.memory_space<vmem>> -> memref<6152xi32, #tpu.memory_space<vmem>>
    %dma_start3A_17 = tpu.memref_slice %arg2[%multiple_of3A_14] : memref<32768xi32, #tpu.memory_space<hbm>> -> memref<6152xi32, #tpu.memory_space<hbm>>
    %dma_start3A_18 = arith.constant 0 : i32
    %dma_start3A_19 = tpu.memref_slice %arg18[%dma_start3A_18] : memref<10248xi32, #tpu.memory_space<vmem>> -> memref<6152xi32, #tpu.memory_space<vmem>>
    %dma_start3A_20 = tpu.memref_slice %arg2[%multiple_of3A_14] : memref<32768xi32, #tpu.memory_space<hbm>> -> memref<6152xi32, #tpu.memory_space<hbm>>
    tpu.enqueue_dma source(%dma_start3A_20 : memref<6152xi32, #tpu.memory_space<hbm>>) target(%dma_start3A_19 : memref<6152xi32, #tpu.memory_space<vmem>>) target_semaphore(%arg29 : memref<!tpu.dma_semaphore, #tpu.memory_space<semaphore_mem>>)
    %dma_start3A_21 = arith.constant 0 : i32
    %dma_start3A_22 = tpu.memref_slice %arg19[%dma_start3A_21] : memref<10248xi32, #tpu.memory_space<vmem>> -> memref<6152xi32, #tpu.memory_space<vmem>>
    %dma_start3A_23 = tpu.memref_slice %arg3[%multiple_of3A_14] : memref<32768xi32, #tpu.memory_space<hbm>> -> memref<6152xi32, #tpu.memory_space<hbm>>
    %dma_start3A_24 = arith.constant 0 : i32
    %dma_start3A_25 = tpu.memref_slice %arg19[%dma_start3A_24] : memref<10248xi32, #tpu.memory_space<vmem>> -> memref<6152xi32, #tpu.memory_space<vmem>>
    %dma_start3A_26 = tpu.memref_slice %arg3[%multiple_of3A_14] : memref<32768xi32, #tpu.memory_space<hbm>> -> memref<6152xi32, #tpu.memory_space<hbm>>
    tpu.enqueue_dma source(%dma_start3A_26 : memref<6152xi32, #tpu.memory_space<hbm>>) target(%dma_start3A_25 : memref<6152xi32, #tpu.memory_space<vmem>>) target_semaphore(%arg29 : memref<!tpu.dma_semaphore, #tpu.memory_space<semaphore_mem>>)
    %dma_start3A_27 = arith.constant 6152 : i32
    %dma_start3A_28 = tpu.memref_slice %arg18[%dma_start3A_27] : memref<10248xi32, #tpu.memory_space<vmem>> -> memref<4096xi32, #tpu.memory_space<vmem>>
    %dma_start3A_29 = arith.constant 6152 : i32
    %dma_start3A_30 = tpu.memref_slice %arg18[%dma_start3A_29] : memref<10248xi32, #tpu.memory_space<vmem>> -> memref<4096xi32, #tpu.memory_space<vmem>>
    tpu.enqueue_dma source(%arg4 : memref<4096xi32, #tpu.memory_space<hbm>>) target(%dma_start3A_30 : memref<4096xi32, #tpu.memory_space<vmem>>) target_semaphore(%arg30 : memref<!tpu.dma_semaphore, #tpu.memory_space<semaphore_mem>>)
    %dma_start3A_31 = arith.constant 6152 : i32
    %dma_start3A_32 = tpu.memref_slice %arg19[%dma_start3A_31] : memref<10248xi32, #tpu.memory_space<vmem>> -> memref<4096xi32, #tpu.memory_space<vmem>>
    %dma_start3A_33 = arith.constant 6152 : i32
    %dma_start3A_34 = tpu.memref_slice %arg19[%dma_start3A_33] : memref<10248xi32, #tpu.memory_space<vmem>> -> memref<4096xi32, #tpu.memory_space<vmem>>
    tpu.enqueue_dma source(%arg5 : memref<4096xi32, #tpu.memory_space<hbm>>) target(%dma_start3A_34 : memref<4096xi32, #tpu.memory_space<vmem>>) target_semaphore(%arg30 : memref<!tpu.dma_semaphore, #tpu.memory_space<semaphore_mem>>)
    %dma_start3A_35 = tpu.memref_slice %arg2[%multiple_of3A_12] : memref<32768xi32, #tpu.memory_space<hbm>> -> memref<256xi32, #tpu.memory_space<hbm>>
    %dma_start3A_36 = tpu.memref_slice %arg2[%multiple_of3A_12] : memref<32768xi32, #tpu.memory_space<hbm>> -> memref<256xi32, #tpu.memory_space<hbm>>
    tpu.enqueue_dma source(%dma_start3A_36 : memref<256xi32, #tpu.memory_space<hbm>>) target(%arg20 : memref<256xi32, #tpu.memory_space<vmem>>) target_semaphore(%arg30 : memref<!tpu.dma_semaphore, #tpu.memory_space<semaphore_mem>>)
    %dma_start3A_37 = tpu.memref_slice %arg3[%multiple_of3A_12] : memref<32768xi32, #tpu.memory_space<hbm>> -> memref<256xi32, #tpu.memory_space<hbm>>
    %dma_start3A_38 = tpu.memref_slice %arg3[%multiple_of3A_12] : memref<32768xi32, #tpu.memory_space<hbm>> -> memref<256xi32, #tpu.memory_space<hbm>>
    tpu.enqueue_dma source(%dma_start3A_38 : memref<256xi32, #tpu.memory_space<hbm>>) target(%arg21 : memref<256xi32, #tpu.memory_space<vmem>>) target_semaphore(%arg30 : memref<!tpu.dma_semaphore, #tpu.memory_space<semaphore_mem>>)
    %dma_wait3A = tpu.memref_slice %arg3[%multiple_of3A] : memref<32768xi32, #tpu.memory_space<hbm>> -> memref<2048xi32, #tpu.memory_space<hbm>>
    %dma_wait3A_39 = tpu.memref_slice %arg3[%multiple_of3A] : memref<32768xi32, #tpu.memory_space<hbm>> -> memref<2048xi32, #tpu.memory_space<hbm>>
    tpu.wait_dma2 semaphore(%arg28 : memref<!tpu.dma_semaphore, #tpu.memory_space<semaphore_mem>>) src(%dma_wait3A_39 : memref<2048xi32, #tpu.memory_space<hbm>>) dst(%arg12 : memref<2048xi32, #tpu.memory_space<vmem>>)
    %dma_wait3A_40 = tpu.memref_slice %arg5[%multiple_of3A_3] : memref<4096xi32, #tpu.memory_space<hbm>> -> memref<256xi32, #tpu.memory_space<hbm>>
    %dma_wait3A_41 = tpu.memref_slice %arg5[%multiple_of3A_3] : memref<4096xi32, #tpu.memory_space<hbm>> -> memref<256xi32, #tpu.memory_space<hbm>>
    tpu.wait_dma2 semaphore(%arg28 : memref<!tpu.dma_semaphore, #tpu.memory_space<semaphore_mem>>) src(%dma_wait3A_41 : memref<256xi32, #tpu.memory_space<hbm>>) dst(%arg13 : memref<256xi32, #tpu.memory_space<vmem>>)
    %broadcast_in_dim3A = arith.constant 0 : i32
    %broadcast_in_dim3A_42 = vector.broadcast %broadcast_in_dim3A : i32 to vector<16xi32>
    %broadcast_in_dim3A_43 = arith.constant 2048 : i32
    %broadcast_in_dim3A_44 = vector.broadcast %broadcast_in_dim3A_43 : i32 to vector<16xi32>
    %broadcast_in_dim3A_45 = arith.constant 256 : i32
    %broadcast_in_dim3A_46 = vector.broadcast %broadcast_in_dim3A_45 : i32 to vector<16xi32>
    %scan3A = arith.constant 0 : i32
    %scan3A_47 = arith.constant 12 : i32
    %scan3A_48 = arith.addi %scan3A, %scan3A_47 : i32
    %scan3A_49 = arith.constant 1 : i32
    %scan3A_50:8 = scf.for %scan3A_267 = %scan3A to %scan3A_48 step %scan3A_49 iter_args(%scan3A_268 = %broadcast_in_dim3A_42, %scan3A_269 = %broadcast_in_dim3A_44, %scan3A_270 = %broadcast_in_dim3A_42, %scan3A_271 = %broadcast_in_dim3A_44, %scan3A_272 = %broadcast_in_dim3A_42, %scan3A_273 = %broadcast_in_dim3A_46, %scan3A_274 = %broadcast_in_dim3A_42, %scan3A_275 = %broadcast_in_dim3A_46) -> (vector<16xi32>, vector<16xi32>, vector<16xi32>, vector<16xi32>, vector<16xi32>, vector<16xi32>, vector<16xi32>, vector<16xi32>)  : i32 {
      %add3A_276 = arith.constant 1 : i32
      %add3A_277 = vector.broadcast %add3A_276 : i32 to vector<16xi32>
      %add3A_278 = arith.addi %iota3A, %add3A_277 : vector<16xi32>
      %lt3A = arith.cmpi slt, %scan3A_268, %scan3A_269 : vector<16xi32>
      %add3A_279 = arith.addi %scan3A_268, %scan3A_269 : vector<16xi32>
      %div3A = arith.constant 2 : i32
      %div3A_280 = vector.broadcast %div3A : i32 to vector<16xi32>
      %div3A_281 = arith.divsi %add3A_279, %div3A_280 : vector<16xi32>
      %jit3A_282 = arith.constant 0 : i32
      %jit3A_283 = arith.constant 2047 : i32
      %max3A = vector.broadcast %jit3A_282 : i32 to vector<16xi32>
      %max3A_284 = arith.maxsi %max3A, %div3A_281 : vector<16xi32>
      %min3A_285 = vector.broadcast %jit3A_283 : i32 to vector<16xi32>
      %min3A_286 = arith.minsi %min3A_285, %max3A_284 : vector<16xi32>
      %gather3A = tpu.vector_load_idx %arg12[%min3A_286] : memref<2048xi32, #tpu.memory_space<vmem>>[vector<16xi32>], vector<16xi32>,
      %lt3A_287 = arith.cmpi slt, %gather3A, %add3A_278 : vector<16xi32>
      %and3A_288 = arith.andi %lt3A, %lt3A_287 : vector<16xi1>
      %add3A_289 = arith.constant 1 : i32
      %add3A_290 = vector.broadcast %add3A_289 : i32 to vector<16xi32>
      %add3A_291 = arith.addi %div3A_281, %add3A_290 : vector<16xi32>
      %select_n3A_292 = arith.select %and3A_288, %add3A_291, %scan3A_268 : vector<16xi1>, vector<16xi32>
      %not3A = arith.constant dense<true> : vector<16xi1>
      %not3A_293 = arith.xori %and3A_288, %not3A : vector<16xi1>
      %and3A_294 = arith.andi %lt3A, %not3A_293 : vector<16xi1>
      %select_n3A_295 = arith.select %and3A_294, %div3A_281, %scan3A_269 : vector<16xi1>, vector<16xi32>
      %lt3A_296 = arith.cmpi slt, %scan3A_270, %scan3A_271 : vector<16xi32>
      %add3A_297 = arith.addi %scan3A_270, %scan3A_271 : vector<16xi32>
      %div3A_298 = arith.constant 2 : i32
      %div3A_299 = vector.broadcast %div3A_298 : i32 to vector<16xi32>
      %div3A_300 = arith.divsi %add3A_297, %div3A_299 : vector<16xi32>
      %jit3A_301 = arith.constant 0 : i32
      %jit3A_302 = arith.constant 2047 : i32
      %max3A_303 = vector.broadcast %jit3A_301 : i32 to vector<16xi32>
      %max3A_304 = arith.maxsi %max3A_303, %div3A_300 : vector<16xi32>
      %min3A_305 = vector.broadcast %jit3A_302 : i32 to vector<16xi32>
      %min3A_306 = arith.minsi %min3A_305, %max3A_304 : vector<16xi32>
      %gather3A_307 = tpu.vector_load_idx %arg12[%min3A_306] : memref<2048xi32, #tpu.memory_space<vmem>>[vector<16xi32>], vector<16xi32>,
      %lt3A_308 = arith.cmpi slt, %gather3A_307, %iota3A : vector<16xi32>
      %and3A_309 = arith.andi %lt3A_296, %lt3A_308 : vector<16xi1>
      %add3A_310 = arith.constant 1 : i32
      %add3A_311 = vector.broadcast %add3A_310 : i32 to vector<16xi32>
      %add3A_312 = arith.addi %div3A_300, %add3A_311 : vector<16xi32>
      %select_n3A_313 = arith.select %and3A_309, %add3A_312, %scan3A_270 : vector<16xi1>, vector<16xi32>
      %not3A_314 = arith.constant dense<true> : vector<16xi1>
      %not3A_315 = arith.xori %and3A_309, %not3A_314 : vector<16xi1>
      %and3A_316 = arith.andi %lt3A_296, %not3A_315 : vector<16xi1>
      %select_n3A_317 = arith.select %and3A_316, %div3A_300, %scan3A_271 : vector<16xi1>, vector<16xi32>
      %add3A_318 = arith.constant 1 : i32
      %add3A_319 = vector.broadcast %add3A_318 : i32 to vector<16xi32>
      %add3A_320 = arith.addi %iota3A, %add3A_319 : vector<16xi32>
      %lt3A_321 = arith.cmpi slt, %scan3A_272, %scan3A_273 : vector<16xi32>
      %add3A_322 = arith.addi %scan3A_272, %scan3A_273 : vector<16xi32>
      %div3A_323 = arith.constant 2 : i32
      %div3A_324 = vector.broadcast %div3A_323 : i32 to vector<16xi32>
      %div3A_325 = arith.divsi %add3A_322, %div3A_324 : vector<16xi32>
      %jit3A_326 = arith.constant 0 : i32
      %jit3A_327 = arith.constant 255 : i32
      %max3A_328 = vector.broadcast %jit3A_326 : i32 to vector<16xi32>
      %max3A_329 = arith.maxsi %max3A_328, %div3A_325 : vector<16xi32>
      %min3A_330 = vector.broadcast %jit3A_327 : i32 to vector<16xi32>
      %min3A_331 = arith.minsi %min3A_330, %max3A_329 : vector<16xi32>
      %gather3A_332 = tpu.vector_load_idx %arg13[%min3A_331] : memref<256xi32, #tpu.memory_space<vmem>>[vector<16xi32>], vector<16xi32>,
      %lt3A_333 = arith.cmpi slt, %gather3A_332, %add3A_320 : vector<16xi32>
      %and3A_334 = arith.andi %lt3A_321, %lt3A_333 : vector<16xi1>
      %add3A_335 = arith.constant 1 : i32
      %add3A_336 = vector.broadcast %add3A_335 : i32 to vector<16xi32>
      %add3A_337 = arith.addi %div3A_325, %add3A_336 : vector<16xi32>
      %select_n3A_338 = arith.select %and3A_334, %add3A_337, %scan3A_272 : vector<16xi1>, vector<16xi32>
      %not3A_339 = arith.constant dense<true> : vector<16xi1>
      %not3A_340 = arith.xori %and3A_334, %not3A_339 : vector<16xi1>
      %and3A_341 = arith.andi %lt3A_321, %not3A_340 : vector<16xi1>
      %select_n3A_342 = arith.select %and3A_341, %div3A_325, %scan3A_273 : vector<16xi1>, vector<16xi32>
      %lt3A_343 = arith.cmpi slt, %scan3A_274, %scan3A_275 : vector<16xi32>
      %add3A_344 = arith.addi %scan3A_274, %scan3A_275 : vector<16xi32>
      %div3A_345 = arith.constant 2 : i32
      %div3A_346 = vector.broadcast %div3A_345 : i32 to vector<16xi32>
      %div3A_347 = arith.divsi %add3A_344, %div3A_346 : vector<16xi32>
      %jit3A_348 = arith.constant 0 : i32
      %jit3A_349 = arith.constant 255 : i32
      %max3A_350 = vector.broadcast %jit3A_348 : i32 to vector<16xi32>
      %max3A_351 = arith.maxsi %max3A_350, %div3A_347 : vector<16xi32>
      %min3A_352 = vector.broadcast %jit3A_349 : i32 to vector<16xi32>
      %min3A_353 = arith.minsi %min3A_352, %max3A_351 : vector<16xi32>
      %gather3A_354 = tpu.vector_load_idx %arg13[%min3A_353] : memref<256xi32, #tpu.memory_space<vmem>>[vector<16xi32>], vector<16xi32>,
      %lt3A_355 = arith.cmpi slt, %gather3A_354, %iota3A : vector<16xi32>
      %and3A_356 = arith.andi %lt3A_343, %lt3A_355 : vector<16xi1>
      %add3A_357 = arith.constant 1 : i32
      %add3A_358 = vector.broadcast %add3A_357 : i32 to vector<16xi32>
      %add3A_359 = arith.addi %div3A_347, %add3A_358 : vector<16xi32>
      %select_n3A_360 = arith.select %and3A_356, %add3A_359, %scan3A_274 : vector<16xi1>, vector<16xi32>
      %not3A_361 = arith.constant dense<true> : vector<16xi1>
      %not3A_362 = arith.xori %and3A_356, %not3A_361 : vector<16xi1>
      %and3A_363 = arith.andi %lt3A_343, %not3A_362 : vector<16xi1>
      %select_n3A_364 = arith.select %and3A_363, %div3A_347, %scan3A_275 : vector<16xi1>, vector<16xi32>
      scf.yield %select_n3A_292, %select_n3A_295, %select_n3A_313, %select_n3A_317, %select_n3A_338, %select_n3A_342, %select_n3A_360, %select_n3A_364 : vector<16xi32>, vector<16xi32>, vector<16xi32>, vector<16xi32>, vector<16xi32>, vector<16xi32>, vector<16xi32>, vector<16xi32>
    }
    %scan3A_51 = arith.constant 12 : i32
    %swap3A = arith.constant 0 : index
    %swap3A_52 = tpu.vector_load %arg15[%swap3A] {strides = array<i32>} : memref<64xi32, #tpu.memory_space<vmem>>, vector<16xi32>,
    tpu.vector_store %arg15[%swap3A], %scan3A_50#2 {strides = array<i32>} : memref<64xi32, #tpu.memory_space<vmem>>, vector<16xi32>,
    %swap3A_53 = arith.constant 16 : index
    %swap3A_54 = tpu.vector_load %arg15[%swap3A_53] {strides = array<i32>} : memref<64xi32, #tpu.memory_space<vmem>>, vector<16xi32>,
    tpu.vector_store %arg15[%swap3A_53], %scan3A_50#0 {strides = array<i32>} : memref<64xi32, #tpu.memory_space<vmem>>, vector<16xi32>,
    %swap3A_55 = arith.constant 32 : index
    %swap3A_56 = tpu.vector_load %arg15[%swap3A_55] {strides = array<i32>} : memref<64xi32, #tpu.memory_space<vmem>>, vector<16xi32>,
    tpu.vector_store %arg15[%swap3A_55], %scan3A_50#6 {strides = array<i32>} : memref<64xi32, #tpu.memory_space<vmem>>, vector<16xi32>,
    %swap3A_57 = arith.constant 48 : index
    %swap3A_58 = tpu.vector_load %arg15[%swap3A_57] {strides = array<i32>} : memref<64xi32, #tpu.memory_space<vmem>>, vector<16xi32>,
    tpu.vector_store %arg15[%swap3A_57], %scan3A_50#4 {strides = array<i32>} : memref<64xi32, #tpu.memory_space<vmem>>, vector<16xi32>,
    %mul3A_59 = arith.constant 64 : i32
    %mul3A_60 = arith.muli %arg1, %mul3A_59 : i32
    %multiple_of3A_61 = tpu.assume_multiple %mul3A_60, 8 : i32
    "tpu.region"() ({
      %run_scoped3A = tpu.sem_alloc : memref<!tpu.dma_semaphore, #tpu.memory_space<semaphore_mem>>
      %dma_start3A_267 = tpu.memref_slice %arg16[%multiple_of3A_61] : memref<1024xi32, #tpu.memory_space<vmem_shared>> -> memref<64xi32, #tpu.memory_space<vmem_shared>>
      %dma_start3A_268 = tpu.memref_slice %arg16[%multiple_of3A_61] : memref<1024xi32, #tpu.memory_space<vmem_shared>> -> memref<64xi32, #tpu.memory_space<vmem_shared>>
      tpu.enqueue_dma source(%arg15 : memref<64xi32, #tpu.memory_space<vmem>>) target(%dma_start3A_268 : memref<64xi32, #tpu.memory_space<vmem_shared>>) target_semaphore(%run_scoped3A : memref<!tpu.dma_semaphore, #tpu.memory_space<semaphore_mem>>)
      %dma_wait3A_269 = tpu.memref_slice %arg16[%multiple_of3A_61] : memref<1024xi32, #tpu.memory_space<vmem_shared>> -> memref<64xi32, #tpu.memory_space<vmem_shared>>
      %dma_wait3A_270 = tpu.memref_slice %arg16[%multiple_of3A_61] : memref<1024xi32, #tpu.memory_space<vmem_shared>> -> memref<64xi32, #tpu.memory_space<vmem_shared>>
      tpu.wait_dma2 semaphore(%run_scoped3A : memref<!tpu.dma_semaphore, #tpu.memory_space<semaphore_mem>>) src(%arg15 : memref<64xi32, #tpu.memory_space<vmem>>) dst(%dma_wait3A_270 : memref<64xi32, #tpu.memory_space<vmem_shared>>)
      tpu.yield
    }) : () -> ()
    %barrier3A = arith.constant 0 : index
    tpu.barrier barrier_id(%barrier3A)
    "tpu.region"() ({
      %run_scoped3A = tpu.sem_alloc : memref<!tpu.dma_semaphore, #tpu.memory_space<semaphore_mem>>
      tpu.enqueue_dma source(%arg16 : memref<1024xi32, #tpu.memory_space<vmem_shared>>) target(%arg17 : memref<1024xi32, #tpu.memory_space<vmem>>) target_semaphore(%run_scoped3A : memref<!tpu.dma_semaphore, #tpu.memory_space<semaphore_mem>>)
      tpu.wait_dma2 semaphore(%run_scoped3A : memref<!tpu.dma_semaphore, #tpu.memory_space<semaphore_mem>>) src(%arg16 : memref<1024xi32, #tpu.memory_space<vmem_shared>>) dst(%arg17 : memref<1024xi32, #tpu.memory_space<vmem>>)
      tpu.yield
    }) : () -> ()
    %scan3A_62 = arith.constant 0 : i32
    %scan3A_63 = arith.constant 16 : i32
    %scan3A_64 = arith.addi %scan3A_62, %scan3A_63 : i32
    %scan3A_65 = arith.constant 1 : i32
    %scan3A_66:4 = scf.for %scan3A_267 = %scan3A_62 to %scan3A_64 step %scan3A_65 iter_args(%scan3A_268 = %broadcast_in_dim3A_42, %scan3A_269 = %broadcast_in_dim3A_42, %scan3A_270 = %broadcast_in_dim3A_42, %scan3A_271 = %broadcast_in_dim3A_42) -> (vector<16xi32>, vector<16xi32>, vector<16xi32>, vector<16xi32>)  : i32 {
      %mul3A_272 = arith.constant 64 : i32
      %mul3A_273 = arith.muli %scan3A_267, %mul3A_272 : i32
      %get3A_274 = arith.index_cast %mul3A_273 : i32 to index
      %get3A_275 = tpu.vector_load %arg17[%get3A_274] {strides = array<i32>} : memref<1024xi32, #tpu.memory_space<vmem>>, vector<16xi32>,
      %add3A_276 = arith.addi %scan3A_268, %get3A_275 : vector<16xi32>
      %mul3A_277 = arith.constant 64 : i32
      %mul3A_278 = arith.muli %scan3A_267, %mul3A_277 : i32
      %add3A_279 = arith.constant 16 : i32
      %add3A_280 = arith.addi %mul3A_278, %add3A_279 : i32
      %get3A_281 = arith.index_cast %add3A_280 : i32 to index
      %get3A_282 = tpu.vector_load %arg17[%get3A_281] {strides = array<i32>} : memref<1024xi32, #tpu.memory_space<vmem>>, vector<16xi32>,
      %add3A_283 = arith.addi %scan3A_269, %get3A_282 : vector<16xi32>
      %mul3A_284 = arith.constant 64 : i32
      %mul3A_285 = arith.muli %scan3A_267, %mul3A_284 : i32
      %add3A_286 = arith.constant 32 : i32
      %add3A_287 = arith.addi %mul3A_285, %add3A_286 : i32
      %get3A_288 = arith.index_cast %add3A_287 : i32 to index
      %get3A_289 = tpu.vector_load %arg17[%get3A_288] {strides = array<i32>} : memref<1024xi32, #tpu.memory_space<vmem>>, vector<16xi32>,
      %add3A_290 = arith.addi %scan3A_270, %get3A_289 : vector<16xi32>
      %mul3A_291 = arith.constant 64 : i32
      %mul3A_292 = arith.muli %scan3A_267, %mul3A_291 : i32
      %add3A_293 = arith.constant 48 : i32
      %add3A_294 = arith.addi %mul3A_292, %add3A_293 : i32
      %get3A_295 = arith.index_cast %add3A_294 : i32 to index
      %get3A_296 = tpu.vector_load %arg17[%get3A_295] {strides = array<i32>} : memref<1024xi32, #tpu.memory_space<vmem>>, vector<16xi32>,
      %add3A_297 = arith.addi %scan3A_271, %get3A_296 : vector<16xi32>
      scf.yield %add3A_276, %add3A_283, %add3A_290, %add3A_297 : vector<16xi32>, vector<16xi32>, vector<16xi32>, vector<16xi32>
    }
    %scan3A_67 = arith.constant 16 : i32
    tpu.wait_dma2 semaphore(%arg27 : memref<!tpu.dma_semaphore, #tpu.memory_space<semaphore_mem>>) src(%arg6 : memref<16xi32, #tpu.memory_space<hbm>>) dst(%arg14 : memref<16xi32, #tpu.memory_space<vmem>>)
    %get3A = arith.constant 0 : index
    %get3A_68 = tpu.vector_load %arg14[%get3A] {strides = array<i32>} : memref<16xi32, #tpu.memory_space<vmem>>, vector<16xi32>,
    %eq3A = arith.constant 0 : i32
    %eq3A_69 = vector.broadcast %eq3A : i32 to vector<16xi32>
    %eq3A_70 = arith.cmpi eq, %iota3A, %eq3A_69 : vector<16xi32>
    %jit3A = arith.constant 0 : i32
    %broadcast_in_dim3A_71 = vector.broadcast %jit3A : i32 to vector<16xi32>
    %select_n3A = arith.select %eq3A_70, %get3A_68, %broadcast_in_dim3A_71 : vector<16xi1>, vector<16xi32>
    %reduce_sum3A = arith.constant true
    %reduce_sum3A_72 = vector.broadcast %reduce_sum3A : i1 to vector<16xi1>
    %reduce_sum3A_73 = tpu.scan <sum>, %select_n3A masked %reduce_sum3A_72 : vector<16xi32>, vector<16xi1> -> vector<16xi32>
    %reduce_sum3A_74 = vector.extract %reduce_sum3A_73[15] : i32 from vector<16xi32>
    %eq3A_75 = arith.constant 1 : i32
    %eq3A_76 = vector.broadcast %eq3A_75 : i32 to vector<16xi32>
    %eq3A_77 = arith.cmpi eq, %iota3A, %eq3A_76 : vector<16xi32>
    %jit3A_78 = arith.constant 0 : i32
    %broadcast_in_dim3A_79 = vector.broadcast %jit3A_78 : i32 to vector<16xi32>
    %select_n3A_80 = arith.select %eq3A_77, %get3A_68, %broadcast_in_dim3A_79 : vector<16xi1>, vector<16xi32>
    %reduce_sum3A_81 = arith.constant true
    %reduce_sum3A_82 = vector.broadcast %reduce_sum3A_81 : i1 to vector<16xi1>
    %reduce_sum3A_83 = tpu.scan <sum>, %select_n3A_80 masked %reduce_sum3A_82 : vector<16xi32>, vector<16xi1> -> vector<16xi32>
    %reduce_sum3A_84 = vector.extract %reduce_sum3A_83[15] : i32 from vector<16xi32>
    %eq3A_85 = arith.constant 2 : i32
    %eq3A_86 = vector.broadcast %eq3A_85 : i32 to vector<16xi32>
    %eq3A_87 = arith.cmpi eq, %iota3A, %eq3A_86 : vector<16xi32>
    %jit3A_88 = arith.constant 0 : i32
    %broadcast_in_dim3A_89 = vector.broadcast %jit3A_88 : i32 to vector<16xi32>
    %select_n3A_90 = arith.select %eq3A_87, %get3A_68, %broadcast_in_dim3A_89 : vector<16xi1>, vector<16xi32>
    %reduce_sum3A_91 = arith.constant true
    %reduce_sum3A_92 = vector.broadcast %reduce_sum3A_91 : i1 to vector<16xi1>
    %reduce_sum3A_93 = tpu.scan <sum>, %select_n3A_90 masked %reduce_sum3A_92 : vector<16xi32>, vector<16xi1> -> vector<16xi32>
    %reduce_sum3A_94 = vector.extract %reduce_sum3A_93[15] : i32 from vector<16xi32>
    %add3A = arith.addi %reduce_sum3A_74, %reduce_sum3A_84 : i32
    %min3A_95 = vector.broadcast %reduce_sum3A_74 : i32 to vector<16xi32>
    %min3A_96 = arith.minsi %scan3A_66#1, %min3A_95 : vector<16xi32>
    %min3A_97 = vector.broadcast %reduce_sum3A_74 : i32 to vector<16xi32>
    %min3A_98 = arith.minsi %scan3A_66#0, %min3A_97 : vector<16xi32>
    %sub3A = arith.subi %min3A_96, %min3A_98 : vector<16xi32>
    %min3A_99 = vector.broadcast %reduce_sum3A_84 : i32 to vector<16xi32>
    %min3A_100 = arith.minsi %scan3A_66#3, %min3A_99 : vector<16xi32>
    %min3A_101 = vector.broadcast %reduce_sum3A_84 : i32 to vector<16xi32>
    %min3A_102 = arith.minsi %scan3A_66#2, %min3A_101 : vector<16xi32>
    %sub3A_103 = arith.subi %min3A_100, %min3A_102 : vector<16xi32>
    %add3A_104 = arith.addi %sub3A, %sub3A_103 : vector<16xi32>
    %gt3A = arith.constant 0 : i32
    %gt3A_105 = vector.broadcast %gt3A : i32 to vector<16xi32>
    %gt3A_106 = arith.cmpi sgt, %sub3A, %gt3A_105 : vector<16xi32>
    %jit3A_107 = arith.constant 32768 : i32
    %broadcast_in_dim3A_108 = vector.broadcast %jit3A_107 : i32 to vector<16xi32>
    %select_n3A_109 = arith.select %gt3A_106, %scan3A_66#0, %broadcast_in_dim3A_108 : vector<16xi1>, vector<16xi32>
    %gt3A_110 = arith.constant 0 : i32
    %gt3A_111 = vector.broadcast %gt3A_110 : i32 to vector<16xi32>
    %gt3A_112 = arith.cmpi sgt, %sub3A_103, %gt3A_111 : vector<16xi32>
    %add3A_113 = vector.broadcast %reduce_sum3A_74 : i32 to vector<16xi32>
    %add3A_114 = arith.addi %add3A_113, %scan3A_66#2 : vector<16xi32>
    %jit3A_115 = arith.constant 32768 : i32
    %broadcast_in_dim3A_116 = vector.broadcast %jit3A_115 : i32 to vector<16xi32>
    %select_n3A_117 = arith.select %gt3A_112, %add3A_114, %broadcast_in_dim3A_116 : vector<16xi1>, vector<16xi32>
    %min3A_118 = arith.minsi %select_n3A_109, %select_n3A_117 : vector<16xi32>
    %masked_sort3A = arith.constant dense<true> : vector<16xi1>
    %masked_sort3A_119 = arith.constant -2147483648 : i32
    %masked_sort3A_120 = vector.broadcast %masked_sort3A_119 : i32 to vector<16xi32>
    %masked_sort3A_121 = arith.xori %min3A_118, %masked_sort3A_120 : vector<16xi32>
    %masked_sort3A_122, %masked_sort3A_123, %masked_sort3A_124 = tpu.sort %masked_sort3A_121, %add3A_104 masked %masked_sort3A : (vector<16xi32>, vector<16xi32>, vector<16xi1>) -> (vector<16xi1>, vector<16xi32>, vector<16xi32>)
    %masked_sort3A_125 = arith.xori %masked_sort3A_123, %masked_sort3A_120 : vector<16xi32>
    %broadcast_in_dim3A_126 = arith.constant true
    %broadcast_in_dim3A_127 = vector.broadcast %broadcast_in_dim3A_126 : i1 to vector<16xi1>
    %masked_cumsum3A = tpu.scan <sum>, %masked_sort3A_124 masked %broadcast_in_dim3A_127 : vector<16xi32>, vector<16xi1> -> vector<16xi32>
    %le3A = vector.broadcast %reduce_sum3A_94 : i32 to vector<16xi32>
    %le3A_128 = arith.cmpi sle, %masked_cumsum3A, %le3A : vector<16xi32>
    %gt3A_129 = arith.constant 0 : i32
    %gt3A_130 = vector.broadcast %gt3A_129 : i32 to vector<16xi32>
    %gt3A_131 = arith.cmpi sgt, %masked_sort3A_124, %gt3A_130 : vector<16xi32>
    %and3A = arith.andi %le3A_128, %gt3A_131 : vector<16xi1>
    %convert_element_type3A = arith.extui %and3A : vector<16xi1> to vector<16xi32>
    %reduce_sum3A_132 = arith.constant true
    %reduce_sum3A_133 = vector.broadcast %reduce_sum3A_132 : i1 to vector<16xi1>
    %reduce_sum3A_134 = tpu.scan <sum>, %convert_element_type3A masked %reduce_sum3A_133 : vector<16xi32>, vector<16xi1> -> vector<16xi32>
    %reduce_sum3A_135 = vector.extract %reduce_sum3A_134[15] : i32 from vector<16xi32>
    %jit3A_136 = arith.constant 0 : i32
    %broadcast_in_dim3A_137 = vector.broadcast %jit3A_136 : i32 to vector<16xi32>
    %select_n3A_138 = arith.select %and3A, %masked_cumsum3A, %broadcast_in_dim3A_137 : vector<16xi1>, vector<16xi32>
    %reduce_max3A = arith.constant true
    %reduce_max3A_139 = vector.broadcast %reduce_max3A : i1 to vector<16xi1>
    %reduce_max3A_140 = arith.constant -2147483648 : i32
    %reduce_max3A_141 = vector.broadcast %reduce_max3A_140 : i32 to vector<16xi32>
    %reduce_max3A_142 = arith.xori %select_n3A_138, %reduce_max3A_141 : vector<16xi32>
    %reduce_max3A_143 = tpu.scan <max>, %reduce_max3A_142 masked %reduce_max3A_139 : vector<16xi32>, vector<16xi1> -> vector<16xi32>
    %reduce_max3A_144 = arith.xori %reduce_max3A_143, %reduce_max3A_141 : vector<16xi32>
    %reduce_max3A_145 = vector.extract %reduce_max3A_144[15] : i32 from vector<16xi32>
    %eq3A_146 = arith.constant 0 : i32
    %eq3A_147 = vector.broadcast %eq3A_146 : i32 to vector<16xi32>
    %eq3A_148 = arith.cmpi eq, %iota3A, %eq3A_147 : vector<16xi32>
    %jit3A_149 = arith.constant 0 : i32
    %broadcast_in_dim3A_150 = vector.broadcast %jit3A_149 : i32 to vector<16xi32>
    %select_n3A_151 = arith.select %eq3A_148, %masked_sort3A_124, %broadcast_in_dim3A_150 : vector<16xi1>, vector<16xi32>
    %reduce_sum3A_152 = arith.constant true
    %reduce_sum3A_153 = vector.broadcast %reduce_sum3A_152 : i1 to vector<16xi1>
    %reduce_sum3A_154 = tpu.scan <sum>, %select_n3A_151 masked %reduce_sum3A_153 : vector<16xi32>, vector<16xi1> -> vector<16xi32>
    %reduce_sum3A_155 = vector.extract %reduce_sum3A_154[15] : i32 from vector<16xi32>
    %gt3A_156 = arith.constant 0 : i32
    %gt3A_157 = arith.cmpi sgt, %reduce_sum3A_135, %gt3A_156 : i32
    %min3A_158 = arith.minsi %reduce_sum3A_155, %reduce_sum3A_94 : i32
    %select_n3A_159 = arith.select %gt3A_157, %reduce_max3A_145, %min3A_158 : i32
    %min3A_160 = arith.minsi %select_n3A_159, %add3A : i32
    %min3A_161 = arith.minsi %min3A_160, %reduce_sum3A_94 : i32
    %gt3A_162 = arith.constant 0 : i32
    %gt3A_163 = arith.cmpi sgt, %add3A, %gt3A_162 : i32
    %jit3A_164 = arith.constant 0 : i32
    %select_n3A_165 = arith.select %gt3A_163, %min3A_161, %jit3A_164 : i32
    %sub3A_166 = arith.subi %add3A, %select_n3A_165 : i32
    %dma_wait3A_167 = arith.constant 6152 : i32
    %dma_wait3A_168 = tpu.memref_slice %arg18[%dma_wait3A_167] : memref<10248xi32, #tpu.memory_space<vmem>> -> memref<4096xi32, #tpu.memory_space<vmem>>
    %dma_wait3A_169 = arith.constant 6152 : i32
    %dma_wait3A_170 = tpu.memref_slice %arg18[%dma_wait3A_169] : memref<10248xi32, #tpu.memory_space<vmem>> -> memref<4096xi32, #tpu.memory_space<vmem>>
    tpu.wait_dma2 semaphore(%arg30 : memref<!tpu.dma_semaphore, #tpu.memory_space<semaphore_mem>>) src(%arg4 : memref<4096xi32, #tpu.memory_space<hbm>>) dst(%dma_wait3A_170 : memref<4096xi32, #tpu.memory_space<vmem>>)
    %dma_wait3A_171 = arith.constant 6152 : i32
    %dma_wait3A_172 = tpu.memref_slice %arg19[%dma_wait3A_171] : memref<10248xi32, #tpu.memory_space<vmem>> -> memref<4096xi32, #tpu.memory_space<vmem>>
    %dma_wait3A_173 = arith.constant 6152 : i32
    %dma_wait3A_174 = tpu.memref_slice %arg19[%dma_wait3A_173] : memref<10248xi32, #tpu.memory_space<vmem>> -> memref<4096xi32, #tpu.memory_space<vmem>>
    tpu.wait_dma2 semaphore(%arg30 : memref<!tpu.dma_semaphore, #tpu.memory_space<semaphore_mem>>) src(%arg5 : memref<4096xi32, #tpu.memory_space<hbm>>) dst(%dma_wait3A_174 : memref<4096xi32, #tpu.memory_space<vmem>>)
    %dma_wait3A_175 = tpu.memref_slice %arg2[%multiple_of3A_12] : memref<32768xi32, #tpu.memory_space<hbm>> -> memref<256xi32, #tpu.memory_space<hbm>>
    %dma_wait3A_176 = tpu.memref_slice %arg2[%multiple_of3A_12] : memref<32768xi32, #tpu.memory_space<hbm>> -> memref<256xi32, #tpu.memory_space<hbm>>
    tpu.wait_dma2 semaphore(%arg30 : memref<!tpu.dma_semaphore, #tpu.memory_space<semaphore_mem>>) src(%dma_wait3A_176 : memref<256xi32, #tpu.memory_space<hbm>>) dst(%arg20 : memref<256xi32, #tpu.memory_space<vmem>>)
    %dma_wait3A_177 = tpu.memref_slice %arg3[%multiple_of3A_12] : memref<32768xi32, #tpu.memory_space<hbm>> -> memref<256xi32, #tpu.memory_space<hbm>>
    %dma_wait3A_178 = tpu.memref_slice %arg3[%multiple_of3A_12] : memref<32768xi32, #tpu.memory_space<hbm>> -> memref<256xi32, #tpu.memory_space<hbm>>
    tpu.wait_dma2 semaphore(%arg30 : memref<!tpu.dma_semaphore, #tpu.memory_space<semaphore_mem>>) src(%dma_wait3A_178 : memref<256xi32, #tpu.memory_space<hbm>>) dst(%arg21 : memref<256xi32, #tpu.memory_space<vmem>>)
    %parallel_loop3A = arith.constant 0 : i32
    %parallel_loop3A_179 = arith.constant 16 : i32
    %parallel_loop3A_180 = arith.constant 1 : i32
    scf.for %parallel_loop3A_267 = %parallel_loop3A to %parallel_loop3A_179 step %parallel_loop3A_180  : i32 {
      %parallel_loop3A_268 = arith.constant 16 : i32
      %parallel_loop3A_269 = arith.muli %parallel_loop3A_267, %parallel_loop3A_268 : i32
      %parallel_loop3A_270 = arith.addi %multiple_of3A_12, %parallel_loop3A_269 : i32
      %parallel_loop3A_271 = vector.broadcast %parallel_loop3A_270 : i32 to vector<16xi32>
      %parallel_loop3A_272 = arith.addi %parallel_loop3A_271, %iota3A : vector<16xi32>
      %parallel_loop3A_273 = vector.broadcast %reduce_sum3A_74 : i32 to vector<16xi32>
      %parallel_loop3A_274 = arith.cmpi sge, %parallel_loop3A_272, %parallel_loop3A_273 : vector<16xi32>
      %parallel_loop3A_275 = vector.broadcast %select_n3A_165 : i32 to vector<16xi32>
      %parallel_loop3A_276 = arith.cmpi slt, %parallel_loop3A_272, %parallel_loop3A_275 : vector<16xi32>
      %parallel_loop3A_277 = vector.broadcast %reduce_sum3A_74 : i32 to vector<16xi32>
      %parallel_loop3A_278 = arith.subi %parallel_loop3A_272, %parallel_loop3A_277 : vector<16xi32>
      %parallel_loop3A_279 = arith.constant 0 : i32
      %parallel_loop3A_280 = arith.constant 4095 : i32
      %parallel_loop3A_281 = vector.broadcast %parallel_loop3A_279 : i32 to vector<16xi32>
      %parallel_loop3A_282 = arith.maxsi %parallel_loop3A_281, %parallel_loop3A_278 : vector<16xi32>
      %parallel_loop3A_283 = vector.broadcast %parallel_loop3A_280 : i32 to vector<16xi32>
      %parallel_loop3A_284 = arith.minsi %parallel_loop3A_283, %parallel_loop3A_282 : vector<16xi32>
      %parallel_loop3A_285 = arith.constant 6152 : i32
      %parallel_loop3A_286 = vector.broadcast %parallel_loop3A_285 : i32 to vector<16xi32>
      %parallel_loop3A_287 = arith.addi %parallel_loop3A_286, %parallel_loop3A_284 : vector<16xi32>
      %parallel_loop3A_288 = tpu.vector_load_idx %arg18[%parallel_loop3A_287] : memref<10248xi32, #tpu.memory_space<vmem>>[vector<16xi32>], vector<16xi32>,
      %parallel_loop3A_289 = arith.constant 16 : i32
      %parallel_loop3A_290 = arith.muli %parallel_loop3A_267, %parallel_loop3A_289 : i32
      %parallel_loop3A_291 = arith.index_cast %parallel_loop3A_290 : i32 to index
      %parallel_loop3A_292 = tpu.vector_load %arg20[%parallel_loop3A_291] {strides = array<i32>} : memref<256xi32, #tpu.memory_space<vmem>>, vector<16xi32>,
      %parallel_loop3A_293 = arith.select %parallel_loop3A_274, %parallel_loop3A_288, %parallel_loop3A_292 : vector<16xi1>, vector<16xi32>
      %parallel_loop3A_294 = tpu.vector_load_idx %arg19[%parallel_loop3A_287] : memref<10248xi32, #tpu.memory_space<vmem>>[vector<16xi32>], vector<16xi32>,
      %parallel_loop3A_295 = arith.constant 16 : i32
      %parallel_loop3A_296 = arith.muli %parallel_loop3A_267, %parallel_loop3A_295 : i32
      %parallel_loop3A_297 = arith.index_cast %parallel_loop3A_296 : i32 to index
      %parallel_loop3A_298 = tpu.vector_load %arg21[%parallel_loop3A_297] {strides = array<i32>} : memref<256xi32, #tpu.memory_space<vmem>>, vector<16xi32>,
      %parallel_loop3A_299 = arith.select %parallel_loop3A_274, %parallel_loop3A_294, %parallel_loop3A_298 : vector<16xi1>, vector<16xi32>
      %parallel_loop3A_300 = arith.constant -1 : i32
      %parallel_loop3A_301 = vector.broadcast %parallel_loop3A_300 : i32 to vector<16xi32>
      %parallel_loop3A_302 = arith.select %parallel_loop3A_276, %parallel_loop3A_293, %parallel_loop3A_301 : vector<16xi1>, vector<16xi32>
      %parallel_loop3A_303 = arith.constant 16 : i32
      %parallel_loop3A_304 = arith.muli %parallel_loop3A_267, %parallel_loop3A_303 : i32
      %parallel_loop3A_305 = arith.index_cast %parallel_loop3A_304 : i32 to index
      %parallel_loop3A_306 = tpu.vector_load %arg24[%parallel_loop3A_305] {strides = array<i32>} : memref<256xi32, #tpu.memory_space<vmem>>, vector<16xi32>,
      tpu.vector_store %arg24[%parallel_loop3A_305], %parallel_loop3A_302 {strides = array<i32>} : memref<256xi32, #tpu.memory_space<vmem>>, vector<16xi32>,
      %parallel_loop3A_307 = arith.constant -1 : i32
      %parallel_loop3A_308 = vector.broadcast %parallel_loop3A_307 : i32 to vector<16xi32>
      %parallel_loop3A_309 = arith.select %parallel_loop3A_276, %parallel_loop3A_299, %parallel_loop3A_308 : vector<16xi1>, vector<16xi32>
      %parallel_loop3A_310 = arith.constant 16 : i32
      %parallel_loop3A_311 = arith.muli %parallel_loop3A_267, %parallel_loop3A_310 : i32
      %parallel_loop3A_312 = arith.index_cast %parallel_loop3A_311 : i32 to index
      %parallel_loop3A_313 = tpu.vector_load %arg25[%parallel_loop3A_312] {strides = array<i32>} : memref<256xi32, #tpu.memory_space<vmem>>, vector<16xi32>,
      tpu.vector_store %arg25[%parallel_loop3A_312], %parallel_loop3A_309 {strides = array<i32>} : memref<256xi32, #tpu.memory_space<vmem>>, vector<16xi32>,
    } {sc.loop_unroll_factor = 4 : i64, sc.parallel_access}
    %dma_start3A_181 = tpu.memref_slice %arg7[%multiple_of3A_12] : memref<4096xi32, #tpu.memory_space<hbm>> -> memref<256xi32, #tpu.memory_space<hbm>>
    %dma_start3A_182 = tpu.memref_slice %arg7[%multiple_of3A_12] : memref<4096xi32, #tpu.memory_space<hbm>> -> memref<256xi32, #tpu.memory_space<hbm>>
    tpu.enqueue_dma source(%arg24 : memref<256xi32, #tpu.memory_space<vmem>>) target(%dma_start3A_182 : memref<256xi32, #tpu.memory_space<hbm>>) target_semaphore(%arg31 : memref<!tpu.dma_semaphore, #tpu.memory_space<semaphore_mem>>)
    %dma_start3A_183 = tpu.memref_slice %arg8[%multiple_of3A_12] : memref<4096xi32, #tpu.memory_space<hbm>> -> memref<256xi32, #tpu.memory_space<hbm>>
    %dma_start3A_184 = tpu.memref_slice %arg8[%multiple_of3A_12] : memref<4096xi32, #tpu.memory_space<hbm>> -> memref<256xi32, #tpu.memory_space<hbm>>
    tpu.enqueue_dma source(%arg25 : memref<256xi32, #tpu.memory_space<vmem>>) target(%dma_start3A_184 : memref<256xi32, #tpu.memory_space<hbm>>) target_semaphore(%arg31 : memref<!tpu.dma_semaphore, #tpu.memory_space<semaphore_mem>>)
    %dma_wait3A_185 = arith.constant 0 : i32
    %dma_wait3A_186 = tpu.memref_slice %arg18[%dma_wait3A_185] : memref<10248xi32, #tpu.memory_space<vmem>> -> memref<6152xi32, #tpu.memory_space<vmem>>
    %dma_wait3A_187 = tpu.memref_slice %arg2[%multiple_of3A_14] : memref<32768xi32, #tpu.memory_space<hbm>> -> memref<6152xi32, #tpu.memory_space<hbm>>
    %dma_wait3A_188 = arith.constant 0 : i32
    %dma_wait3A_189 = tpu.memref_slice %arg18[%dma_wait3A_188] : memref<10248xi32, #tpu.memory_space<vmem>> -> memref<6152xi32, #tpu.memory_space<vmem>>
    %dma_wait3A_190 = tpu.memref_slice %arg2[%multiple_of3A_14] : memref<32768xi32, #tpu.memory_space<hbm>> -> memref<6152xi32, #tpu.memory_space<hbm>>
    tpu.wait_dma2 semaphore(%arg29 : memref<!tpu.dma_semaphore, #tpu.memory_space<semaphore_mem>>) src(%dma_wait3A_190 : memref<6152xi32, #tpu.memory_space<hbm>>) dst(%dma_wait3A_189 : memref<6152xi32, #tpu.memory_space<vmem>>)
    %dma_wait3A_191 = arith.constant 0 : i32
    %dma_wait3A_192 = tpu.memref_slice %arg19[%dma_wait3A_191] : memref<10248xi32, #tpu.memory_space<vmem>> -> memref<6152xi32, #tpu.memory_space<vmem>>
    %dma_wait3A_193 = tpu.memref_slice %arg3[%multiple_of3A_14] : memref<32768xi32, #tpu.memory_space<hbm>> -> memref<6152xi32, #tpu.memory_space<hbm>>
    %dma_wait3A_194 = arith.constant 0 : i32
    %dma_wait3A_195 = tpu.memref_slice %arg19[%dma_wait3A_194] : memref<10248xi32, #tpu.memory_space<vmem>> -> memref<6152xi32, #tpu.memory_space<vmem>>
    %dma_wait3A_196 = tpu.memref_slice %arg3[%multiple_of3A_14] : memref<32768xi32, #tpu.memory_space<hbm>> -> memref<6152xi32, #tpu.memory_space<hbm>>
    tpu.wait_dma2 semaphore(%arg29 : memref<!tpu.dma_semaphore, #tpu.memory_space<semaphore_mem>>) src(%dma_wait3A_196 : memref<6152xi32, #tpu.memory_space<hbm>>) dst(%dma_wait3A_195 : memref<6152xi32, #tpu.memory_space<vmem>>)
    %sub3A_197 = arith.subi %select_n3A_165, %multiple_of3A_14 : i32
    %add3A_198 = arith.constant 6152 : i32
    %add3A_199 = arith.addi %add3A_198, %select_n3A_165 : i32
    %sub3A_200 = arith.subi %add3A_199, %reduce_sum3A_74 : i32
    %sub3A_201 = arith.subi %reduce_sum3A_74, %select_n3A_165 : i32
    %parallel_loop3A_202 = arith.constant 0 : i32
    %parallel_loop3A_203 = arith.constant 64 : i32
    %parallel_loop3A_204 = arith.constant 1 : i32
    scf.for %parallel_loop3A_267 = %parallel_loop3A_202 to %parallel_loop3A_203 step %parallel_loop3A_204  : i32 {
      %parallel_loop3A_268 = arith.constant 16 : i32
      %parallel_loop3A_269 = arith.muli %parallel_loop3A_267, %parallel_loop3A_268 : i32
      %parallel_loop3A_270 = arith.addi %multiple_of3A_9, %parallel_loop3A_269 : i32
      %parallel_loop3A_271 = vector.broadcast %parallel_loop3A_270 : i32 to vector<16xi32>
      %parallel_loop3A_272 = arith.addi %parallel_loop3A_271, %iota3A : vector<16xi32>
      %parallel_loop3A_273 = vector.broadcast %sub3A_166 : i32 to vector<16xi32>
      %parallel_loop3A_274 = arith.cmpi slt, %parallel_loop3A_272, %parallel_loop3A_273 : vector<16xi32>
      %parallel_loop3A_275 = vector.broadcast %sub3A_201 : i32 to vector<16xi32>
      %parallel_loop3A_276 = arith.cmpi sge, %parallel_loop3A_272, %parallel_loop3A_275 : vector<16xi32>
      %parallel_loop3A_277 = vector.broadcast %sub3A_200 : i32 to vector<16xi32>
      %parallel_loop3A_278 = arith.addi %parallel_loop3A_272, %parallel_loop3A_277 : vector<16xi32>
      %parallel_loop3A_279 = arith.constant 6152 : i32
      %parallel_loop3A_280 = arith.constant 10247 : i32
      %parallel_loop3A_281 = vector.broadcast %parallel_loop3A_279 : i32 to vector<16xi32>
      %parallel_loop3A_282 = arith.maxsi %parallel_loop3A_281, %parallel_loop3A_278 : vector<16xi32>
      %parallel_loop3A_283 = vector.broadcast %parallel_loop3A_280 : i32 to vector<16xi32>
      %parallel_loop3A_284 = arith.minsi %parallel_loop3A_283, %parallel_loop3A_282 : vector<16xi32>
      %parallel_loop3A_285 = vector.broadcast %sub3A_197 : i32 to vector<16xi32>
      %parallel_loop3A_286 = arith.addi %parallel_loop3A_272, %parallel_loop3A_285 : vector<16xi32>
      %parallel_loop3A_287 = arith.select %parallel_loop3A_276, %parallel_loop3A_284, %parallel_loop3A_286 : vector<16xi1>, vector<16xi32>
      %parallel_loop3A_288 = tpu.vector_load_idx %arg18[%parallel_loop3A_287] : memref<10248xi32, #tpu.memory_space<vmem>>[vector<16xi32>], vector<16xi32>,
      %parallel_loop3A_289 = arith.constant -1 : i32
      %parallel_loop3A_290 = vector.broadcast %parallel_loop3A_289 : i32 to vector<16xi32>
      %parallel_loop3A_291 = arith.select %parallel_loop3A_274, %parallel_loop3A_288, %parallel_loop3A_290 : vector<16xi1>, vector<16xi32>
      %parallel_loop3A_292 = arith.constant 16 : i32
      %parallel_loop3A_293 = arith.muli %parallel_loop3A_267, %parallel_loop3A_292 : i32
      %parallel_loop3A_294 = arith.index_cast %parallel_loop3A_293 : i32 to index
      %parallel_loop3A_295 = tpu.vector_load %arg22[%parallel_loop3A_294] {strides = array<i32>} : memref<2048xi32, #tpu.memory_space<vmem>>, vector<16xi32>,
      tpu.vector_store %arg22[%parallel_loop3A_294], %parallel_loop3A_291 {strides = array<i32>} : memref<2048xi32, #tpu.memory_space<vmem>>, vector<16xi32>,
      %parallel_loop3A_296 = tpu.vector_load_idx %arg19[%parallel_loop3A_287] : memref<10248xi32, #tpu.memory_space<vmem>>[vector<16xi32>], vector<16xi32>,
      %parallel_loop3A_297 = arith.constant -1 : i32
      %parallel_loop3A_298 = vector.broadcast %parallel_loop3A_297 : i32 to vector<16xi32>
      %parallel_loop3A_299 = arith.select %parallel_loop3A_274, %parallel_loop3A_296, %parallel_loop3A_298 : vector<16xi1>, vector<16xi32>
      %parallel_loop3A_300 = arith.constant 16 : i32
      %parallel_loop3A_301 = arith.muli %parallel_loop3A_267, %parallel_loop3A_300 : i32
      %parallel_loop3A_302 = arith.index_cast %parallel_loop3A_301 : i32 to index
      %parallel_loop3A_303 = tpu.vector_load %arg23[%parallel_loop3A_302] {strides = array<i32>} : memref<2048xi32, #tpu.memory_space<vmem>>, vector<16xi32>,
      tpu.vector_store %arg23[%parallel_loop3A_302], %parallel_loop3A_299 {strides = array<i32>} : memref<2048xi32, #tpu.memory_space<vmem>>, vector<16xi32>,
    } {sc.loop_unroll_factor = 8 : i64, sc.parallel_access}
    %dma_start3A_205 = arith.constant 0 : i32
    %dma_start3A_206 = tpu.memref_slice %arg22[%dma_start3A_205] : memref<2048xi32, #tpu.memory_space<vmem>> -> memref<1024xi32, #tpu.memory_space<vmem>>
    %dma_start3A_207 = tpu.memref_slice %arg9[%multiple_of3A_9] : memref<32768xi32, #tpu.memory_space<hbm>> -> memref<1024xi32, #tpu.memory_space<hbm>>
    %dma_start3A_208 = tpu.memref_slice %arg9[%multiple_of3A_9] : memref<32768xi32, #tpu.memory_space<hbm>> -> memref<1024xi32, #tpu.memory_space<hbm>>
    %dma_start3A_209 = arith.constant 0 : i32
    %dma_start3A_210 = tpu.memref_slice %arg22[%dma_start3A_209] : memref<2048xi32, #tpu.memory_space<vmem>> -> memref<1024xi32, #tpu.memory_space<vmem>>
    tpu.enqueue_dma source(%dma_start3A_210 : memref<1024xi32, #tpu.memory_space<vmem>>) target(%dma_start3A_208 : memref<1024xi32, #tpu.memory_space<hbm>>) target_semaphore(%arg31 : memref<!tpu.dma_semaphore, #tpu.memory_space<semaphore_mem>>)
    %dma_start3A_211 = arith.constant 0 : i32
    %dma_start3A_212 = tpu.memref_slice %arg23[%dma_start3A_211] : memref<2048xi32, #tpu.memory_space<vmem>> -> memref<1024xi32, #tpu.memory_space<vmem>>
    %dma_start3A_213 = tpu.memref_slice %arg10[%multiple_of3A_9] : memref<32768xi32, #tpu.memory_space<hbm>> -> memref<1024xi32, #tpu.memory_space<hbm>>
    %dma_start3A_214 = tpu.memref_slice %arg10[%multiple_of3A_9] : memref<32768xi32, #tpu.memory_space<hbm>> -> memref<1024xi32, #tpu.memory_space<hbm>>
    %dma_start3A_215 = arith.constant 0 : i32
    %dma_start3A_216 = tpu.memref_slice %arg23[%dma_start3A_215] : memref<2048xi32, #tpu.memory_space<vmem>> -> memref<1024xi32, #tpu.memory_space<vmem>>
    tpu.enqueue_dma source(%dma_start3A_216 : memref<1024xi32, #tpu.memory_space<vmem>>) target(%dma_start3A_214 : memref<1024xi32, #tpu.memory_space<hbm>>) target_semaphore(%arg31 : memref<!tpu.dma_semaphore, #tpu.memory_space<semaphore_mem>>)
    %parallel_loop3A_217 = arith.constant 64 : i32
    %parallel_loop3A_218 = arith.constant 128 : i32
    %parallel_loop3A_219 = arith.constant 1 : i32
    scf.for %parallel_loop3A_267 = %parallel_loop3A_217 to %parallel_loop3A_218 step %parallel_loop3A_219  : i32 {
      %parallel_loop3A_268 = arith.constant 16 : i32
      %parallel_loop3A_269 = arith.muli %parallel_loop3A_267, %parallel_loop3A_268 : i32
      %parallel_loop3A_270 = arith.addi %multiple_of3A_9, %parallel_loop3A_269 : i32
      %parallel_loop3A_271 = vector.broadcast %parallel_loop3A_270 : i32 to vector<16xi32>
      %parallel_loop3A_272 = arith.addi %parallel_loop3A_271, %iota3A : vector<16xi32>
      %parallel_loop3A_273 = vector.broadcast %sub3A_166 : i32 to vector<16xi32>
      %parallel_loop3A_274 = arith.cmpi slt, %parallel_loop3A_272, %parallel_loop3A_273 : vector<16xi32>
      %parallel_loop3A_275 = vector.broadcast %sub3A_201 : i32 to vector<16xi32>
      %parallel_loop3A_276 = arith.cmpi sge, %parallel_loop3A_272, %parallel_loop3A_275 : vector<16xi32>
      %parallel_loop3A_277 = vector.broadcast %sub3A_200 : i32 to vector<16xi32>
      %parallel_loop3A_278 = arith.addi %parallel_loop3A_272, %parallel_loop3A_277 : vector<16xi32>
      %parallel_loop3A_279 = arith.constant 6152 : i32
      %parallel_loop3A_280 = arith.constant 10247 : i32
      %parallel_loop3A_281 = vector.broadcast %parallel_loop3A_279 : i32 to vector<16xi32>
      %parallel_loop3A_282 = arith.maxsi %parallel_loop3A_281, %parallel_loop3A_278 : vector<16xi32>
      %parallel_loop3A_283 = vector.broadcast %parallel_loop3A_280 : i32 to vector<16xi32>
      %parallel_loop3A_284 = arith.minsi %parallel_loop3A_283, %parallel_loop3A_282 : vector<16xi32>
      %parallel_loop3A_285 = vector.broadcast %sub3A_197 : i32 to vector<16xi32>
      %parallel_loop3A_286 = arith.addi %parallel_loop3A_272, %parallel_loop3A_285 : vector<16xi32>
      %parallel_loop3A_287 = arith.select %parallel_loop3A_276, %parallel_loop3A_284, %parallel_loop3A_286 : vector<16xi1>, vector<16xi32>
      %parallel_loop3A_288 = tpu.vector_load_idx %arg18[%parallel_loop3A_287] : memref<10248xi32, #tpu.memory_space<vmem>>[vector<16xi32>], vector<16xi32>,
      %parallel_loop3A_289 = arith.constant -1 : i32
      %parallel_loop3A_290 = vector.broadcast %parallel_loop3A_289 : i32 to vector<16xi32>
      %parallel_loop3A_291 = arith.select %parallel_loop3A_274, %parallel_loop3A_288, %parallel_loop3A_290 : vector<16xi1>, vector<16xi32>
      %parallel_loop3A_292 = arith.constant 16 : i32
      %parallel_loop3A_293 = arith.muli %parallel_loop3A_267, %parallel_loop3A_292 : i32
      %parallel_loop3A_294 = arith.index_cast %parallel_loop3A_293 : i32 to index
      %parallel_loop3A_295 = tpu.vector_load %arg22[%parallel_loop3A_294] {strides = array<i32>} : memref<2048xi32, #tpu.memory_space<vmem>>, vector<16xi32>,
      tpu.vector_store %arg22[%parallel_loop3A_294], %parallel_loop3A_291 {strides = array<i32>} : memref<2048xi32, #tpu.memory_space<vmem>>, vector<16xi32>,
      %parallel_loop3A_296 = tpu.vector_load_idx %arg19[%parallel_loop3A_287] : memref<10248xi32, #tpu.memory_space<vmem>>[vector<16xi32>], vector<16xi32>,
      %parallel_loop3A_297 = arith.constant -1 : i32
      %parallel_loop3A_298 = vector.broadcast %parallel_loop3A_297 : i32 to vector<16xi32>
      %parallel_loop3A_299 = arith.select %parallel_loop3A_274, %parallel_loop3A_296, %parallel_loop3A_298 : vector<16xi1>, vector<16xi32>
      %parallel_loop3A_300 = arith.constant 16 : i32
      %parallel_loop3A_301 = arith.muli %parallel_loop3A_267, %parallel_loop3A_300 : i32
      %parallel_loop3A_302 = arith.index_cast %parallel_loop3A_301 : i32 to index
      %parallel_loop3A_303 = tpu.vector_load %arg23[%parallel_loop3A_302] {strides = array<i32>} : memref<2048xi32, #tpu.memory_space<vmem>>, vector<16xi32>,
      tpu.vector_store %arg23[%parallel_loop3A_302], %parallel_loop3A_299 {strides = array<i32>} : memref<2048xi32, #tpu.memory_space<vmem>>, vector<16xi32>,
    } {sc.loop_unroll_factor = 8 : i64, sc.parallel_access}
    %add3A_220 = arith.constant 1024 : i32
    %add3A_221 = arith.addi %multiple_of3A_9, %add3A_220 : i32
    %multiple_of3A_222 = tpu.assume_multiple %add3A_221, 8 : i32
    %dma_start3A_223 = arith.constant 1024 : i32
    %dma_start3A_224 = tpu.memref_slice %arg22[%dma_start3A_223] : memref<2048xi32, #tpu.memory_space<vmem>> -> memref<1024xi32, #tpu.memory_space<vmem>>
    %dma_start3A_225 = tpu.memref_slice %arg9[%multiple_of3A_222] : memref<32768xi32, #tpu.memory_space<hbm>> -> memref<1024xi32, #tpu.memory_space<hbm>>
    %dma_start3A_226 = tpu.memref_slice %arg9[%multiple_of3A_222] : memref<32768xi32, #tpu.memory_space<hbm>> -> memref<1024xi32, #tpu.memory_space<hbm>>
    %dma_start3A_227 = arith.constant 1024 : i32
    %dma_start3A_228 = tpu.memref_slice %arg22[%dma_start3A_227] : memref<2048xi32, #tpu.memory_space<vmem>> -> memref<1024xi32, #tpu.memory_space<vmem>>
    tpu.enqueue_dma source(%dma_start3A_228 : memref<1024xi32, #tpu.memory_space<vmem>>) target(%dma_start3A_226 : memref<1024xi32, #tpu.memory_space<hbm>>) target_semaphore(%arg31 : memref<!tpu.dma_semaphore, #tpu.memory_space<semaphore_mem>>)
    %dma_start3A_229 = arith.constant 1024 : i32
    %dma_start3A_230 = tpu.memref_slice %arg23[%dma_start3A_229] : memref<2048xi32, #tpu.memory_space<vmem>> -> memref<1024xi32, #tpu.memory_space<vmem>>
    %dma_start3A_231 = tpu.memref_slice %arg10[%multiple_of3A_222] : memref<32768xi32, #tpu.memory_space<hbm>> -> memref<1024xi32, #tpu.memory_space<hbm>>
    %dma_start3A_232 = tpu.memref_slice %arg10[%multiple_of3A_222] : memref<32768xi32, #tpu.memory_space<hbm>> -> memref<1024xi32, #tpu.memory_space<hbm>>
    %dma_start3A_233 = arith.constant 1024 : i32
    %dma_start3A_234 = tpu.memref_slice %arg23[%dma_start3A_233] : memref<2048xi32, #tpu.memory_space<vmem>> -> memref<1024xi32, #tpu.memory_space<vmem>>
    tpu.enqueue_dma source(%dma_start3A_234 : memref<1024xi32, #tpu.memory_space<vmem>>) target(%dma_start3A_232 : memref<1024xi32, #tpu.memory_space<hbm>>) target_semaphore(%arg31 : memref<!tpu.dma_semaphore, #tpu.memory_space<semaphore_mem>>)
    %eq3A_235 = arith.constant 0 : i32
    %eq3A_236 = arith.cmpi eq, %arg1, %eq3A_235 : i32
    %convert_element_type3A_237 = arith.extui %eq3A_236 : i1 to i32
    %cond3A = arith.constant 0 : i32
    %cond3A_238 = arith.cmpi ne, %convert_element_type3A_237, %cond3A : i32
    scf.if %cond3A_238 {
      %eq3A_267 = arith.constant 0 : i32
      %eq3A_268 = vector.broadcast %eq3A_267 : i32 to vector<16xi32>
      %eq3A_269 = arith.cmpi eq, %iota3A, %eq3A_268 : vector<16xi32>
      %eq3A_270 = arith.constant 1 : i32
      %eq3A_271 = vector.broadcast %eq3A_270 : i32 to vector<16xi32>
      %eq3A_272 = arith.cmpi eq, %iota3A, %eq3A_271 : vector<16xi32>
      %jit3A_273 = arith.constant 0 : i32
      %broadcast_in_dim3A_274 = vector.broadcast %sub3A_166 : i32 to vector<16xi32>
      %broadcast_in_dim3A_275 = vector.broadcast %jit3A_273 : i32 to vector<16xi32>
      %select_n3A_276 = arith.select %eq3A_272, %broadcast_in_dim3A_274, %broadcast_in_dim3A_275 : vector<16xi1>, vector<16xi32>
      %broadcast_in_dim3A_277 = vector.broadcast %select_n3A_165 : i32 to vector<16xi32>
      %select_n3A_278 = arith.select %eq3A_269, %broadcast_in_dim3A_277, %select_n3A_276 : vector<16xi1>, vector<16xi32>
      %swap3A_279 = arith.constant 0 : index
      %swap3A_280 = tpu.vector_load %arg26[%swap3A_279] {strides = array<i32>} : memref<16xi32, #tpu.memory_space<vmem>>, vector<16xi32>,
      tpu.vector_store %arg26[%swap3A_279], %select_n3A_278 {strides = array<i32>} : memref<16xi32, #tpu.memory_space<vmem>>, vector<16xi32>,
      "tpu.region"() ({
        %run_scoped3A = tpu.sem_alloc : memref<!tpu.dma_semaphore, #tpu.memory_space<semaphore_mem>>
        tpu.enqueue_dma source(%arg26 : memref<16xi32, #tpu.memory_space<vmem>>) target(%arg11 : memref<16xi32, #tpu.memory_space<hbm>>) target_semaphore(%run_scoped3A : memref<!tpu.dma_semaphore, #tpu.memory_space<semaphore_mem>>)
        tpu.wait_dma2 semaphore(%run_scoped3A : memref<!tpu.dma_semaphore, #tpu.memory_space<semaphore_mem>>) src(%arg26 : memref<16xi32, #tpu.memory_space<vmem>>) dst(%arg11 : memref<16xi32, #tpu.memory_space<hbm>>)
        tpu.yield
      }) : () -> ()
    } else {
    }
    %dma_wait3A_239 = tpu.memref_slice %arg7[%multiple_of3A_12] : memref<4096xi32, #tpu.memory_space<hbm>> -> memref<256xi32, #tpu.memory_space<hbm>>
    %dma_wait3A_240 = tpu.memref_slice %arg7[%multiple_of3A_12] : memref<4096xi32, #tpu.memory_space<hbm>> -> memref<256xi32, #tpu.memory_space<hbm>>
    tpu.wait_dma2 semaphore(%arg31 : memref<!tpu.dma_semaphore, #tpu.memory_space<semaphore_mem>>) src(%arg24 : memref<256xi32, #tpu.memory_space<vmem>>) dst(%dma_wait3A_240 : memref<256xi32, #tpu.memory_space<hbm>>)
    %dma_wait3A_241 = tpu.memref_slice %arg8[%multiple_of3A_12] : memref<4096xi32, #tpu.memory_space<hbm>> -> memref<256xi32, #tpu.memory_space<hbm>>
    %dma_wait3A_242 = tpu.memref_slice %arg8[%multiple_of3A_12] : memref<4096xi32, #tpu.memory_space<hbm>> -> memref<256xi32, #tpu.memory_space<hbm>>
    tpu.wait_dma2 semaphore(%arg31 : memref<!tpu.dma_semaphore, #tpu.memory_space<semaphore_mem>>) src(%arg25 : memref<256xi32, #tpu.memory_space<vmem>>) dst(%dma_wait3A_242 : memref<256xi32, #tpu.memory_space<hbm>>)
    %dma_wait3A_243 = arith.constant 0 : i32
    %dma_wait3A_244 = tpu.memref_slice %arg22[%dma_wait3A_243] : memref<2048xi32, #tpu.memory_space<vmem>> -> memref<1024xi32, #tpu.memory_space<vmem>>
    %dma_wait3A_245 = tpu.memref_slice %arg9[%multiple_of3A_9] : memref<32768xi32, #tpu.memory_space<hbm>> -> memref<1024xi32, #tpu.memory_space<hbm>>
    %dma_wait3A_246 = tpu.memref_slice %arg9[%multiple_of3A_9] : memref<32768xi32, #tpu.memory_space<hbm>> -> memref<1024xi32, #tpu.memory_space<hbm>>
    %dma_wait3A_247 = arith.constant 0 : i32
    %dma_wait3A_248 = tpu.memref_slice %arg22[%dma_wait3A_247] : memref<2048xi32, #tpu.memory_space<vmem>> -> memref<1024xi32, #tpu.memory_space<vmem>>
    tpu.wait_dma2 semaphore(%arg31 : memref<!tpu.dma_semaphore, #tpu.memory_space<semaphore_mem>>) src(%dma_wait3A_248 : memref<1024xi32, #tpu.memory_space<vmem>>) dst(%dma_wait3A_246 : memref<1024xi32, #tpu.memory_space<hbm>>)
    %dma_wait3A_249 = arith.constant 0 : i32
    %dma_wait3A_250 = tpu.memref_slice %arg23[%dma_wait3A_249] : memref<2048xi32, #tpu.memory_space<vmem>> -> memref<1024xi32, #tpu.memory_space<vmem>>
    %dma_wait3A_251 = tpu.memref_slice %arg10[%multiple_of3A_9] : memref<32768xi32, #tpu.memory_space<hbm>> -> memref<1024xi32, #tpu.memory_space<hbm>>
    %dma_wait3A_252 = tpu.memref_slice %arg10[%multiple_of3A_9] : memref<32768xi32, #tpu.memory_space<hbm>> -> memref<1024xi32, #tpu.memory_space<hbm>>
    %dma_wait3A_253 = arith.constant 0 : i32
    %dma_wait3A_254 = tpu.memref_slice %arg23[%dma_wait3A_253] : memref<2048xi32, #tpu.memory_space<vmem>> -> memref<1024xi32, #tpu.memory_space<vmem>>
    tpu.wait_dma2 semaphore(%arg31 : memref<!tpu.dma_semaphore, #tpu.memory_space<semaphore_mem>>) src(%dma_wait3A_254 : memref<1024xi32, #tpu.memory_space<vmem>>) dst(%dma_wait3A_252 : memref<1024xi32, #tpu.memory_space<hbm>>)
    %dma_wait3A_255 = arith.constant 1024 : i32
    %dma_wait3A_256 = tpu.memref_slice %arg22[%dma_wait3A_255] : memref<2048xi32, #tpu.memory_space<vmem>> -> memref<1024xi32, #tpu.memory_space<vmem>>
    %dma_wait3A_257 = tpu.memref_slice %arg9[%multiple_of3A_222] : memref<32768xi32, #tpu.memory_space<hbm>> -> memref<1024xi32, #tpu.memory_space<hbm>>
    %dma_wait3A_258 = tpu.memref_slice %arg9[%multiple_of3A_222] : memref<32768xi32, #tpu.memory_space<hbm>> -> memref<1024xi32, #tpu.memory_space<hbm>>
    %dma_wait3A_259 = arith.constant 1024 : i32
    %dma_wait3A_260 = tpu.memref_slice %arg22[%dma_wait3A_259] : memref<2048xi32, #tpu.memory_space<vmem>> -> memref<1024xi32, #tpu.memory_space<vmem>>
    tpu.wait_dma2 semaphore(%arg31 : memref<!tpu.dma_semaphore, #tpu.memory_space<semaphore_mem>>) src(%dma_wait3A_260 : memref<1024xi32, #tpu.memory_space<vmem>>) dst(%dma_wait3A_258 : memref<1024xi32, #tpu.memory_space<hbm>>)
    %dma_wait3A_261 = arith.constant 1024 : i32
    %dma_wait3A_262 = tpu.memref_slice %arg23[%dma_wait3A_261] : memref<2048xi32, #tpu.memory_space<vmem>> -> memref<1024xi32, #tpu.memory_space<vmem>>
    %dma_wait3A_263 = tpu.memref_slice %arg10[%multiple_of3A_222] : memref<32768xi32, #tpu.memory_space<hbm>> -> memref<1024xi32, #tpu.memory_space<hbm>>
    %dma_wait3A_264 = tpu.memref_slice %arg10[%multiple_of3A_222] : memref<32768xi32, #tpu.memory_space<hbm>> -> memref<1024xi32, #tpu.memory_space<hbm>>
    %dma_wait3A_265 = arith.constant 1024 : i32
    %dma_wait3A_266 = tpu.memref_slice %arg23[%dma_wait3A_265] : memref<2048xi32, #tpu.memory_space<vmem>> -> memref<1024xi32, #tpu.memory_space<vmem>>
    tpu.wait_dma2 semaphore(%arg31 : memref<!tpu.dma_semaphore, #tpu.memory_space<semaphore_mem>>) src(%dma_wait3A_266 : memref<1024xi32, #tpu.memory_space<vmem>>) dst(%dma_wait3A_264 : memref<1024xi32, #tpu.memory_space<hbm>>)
    return
  }
}

</mosaic_0001>

<sc_bundles>
// kernel: kernel.3.cloned.1.call-start
scs
__scs_entry_jumppad:
0x0: {  	(pc) =	sbr.rel $0x88, $3  }
0x1: {  	(tag) =	ssettag $0x0;
	lr =	simm.s32 $0x1  }
0x2: {  	[smem:$0x3F9A] =	sst lr;
	_ =	strace $0xD0000000  }
0x3: {  	_ = 	snop  }
0x4: {  	_ = 	snop  }
0x5: {  	_ = 	snop  }
0x6: {  	_ = 	snop  }
0x7: {  	_ = 	snop  }
__scs_overlays_trampoline_lowered:
0x8: {  	[smem:$0x3FA9] =	sst s0  }
0x9: {  	[smem:$0x3FAA] =	sst s1  }
0xa: {  	[smem:$0x3FAB] =	sst s2  }
0xb: {  	[smem:$0x3FAC] =	sst s3  }
0xc: {  	[smem:$0x3FAD] =	sst s4  }
0xd: {  	[smem:$0x3FAE] =	sst s5  }
0xe: {  	[smem:$0x3FAF] =	sst s6  }
0xf: {  	[smem:$0x3FB0] =	sst s7  }
0x10: {  	[smem:$0x3FB1] =	sst s8  }
0x11: {  	[smem:$0x3FB2] =	sst s9;
	s0 =	simm.s32 @!p0 $0x0  }
0x12: {  	s1 =	sld [smem:$0x3F98];
	s0 =	simm.s32 @p0 $0x1  }
0x13: {  	[smem:$0x3FB3] =	sst s0;
	s0 =	simm.s32 @!p1 $0x0  }
0x14: {  	s2 =	sld [smem:$0x3F97];
	s0 =	simm.s32 @p1 $0x1  }
0x15: {  	[smem:$0x3FB4] =	sst s0;
	s0 =	simm.s32 @!p2 $0x0  }
0x16: {  	s3 =	sld [smem:$0x3FDB];
	s0 =	simm.s32 @p2 $0x1  }
0x17: {  	s4 =	simm.s32 $0x1BF5;
	[smem:$0x3FB6] =	sst s0  }
0x18: {  	s0 =	sld [smem:$0x3F99];
	_ =	swait.ge [sflag:s4], $0x0  }
0x19: {  	s7 =	sld [smem:$0x3F9A]  }
0x1a: {  	s8 =	sadd.s32 $0xFFFFE003, lr  }
0x1b: {  	s9 =	sadd.s32 $0xFFFFFEF7, lr;
	s5 =	simm.s32 $0xFFFFFFFF;
	p2 =	slt.u32 s8, $0xFFFFF086  }
0x1c: {  	p1 =	slt.u32 s9, $0xF7A;
	s5 =	simm.s32 @!p2 $0x0  }
0x1d: {  	s5 =	simm.s32 @p1 $0x1;
	p0 =	seq.s32 s7, s2  }
0x1e: {  	s7 =	smul.u32 @!p0 $0xF7A, s2;
	p2 =	seq.s32 @!p0 s5, $0x0  }
0x1f: {  	s9 =	smul.u32 $0xF7A, s1;
	s8 =	simm.s32 @!p0 $0x1BF5;
	p2 =	por !p2, p0  }
0x20: {  	[sflag:s8] =	ssyncset.s32 @!p0 $0xFFFFF086;
	s6 =	sadd.s32 @!p0 s3, s7;
	s7 =	simm.s32 @!p0 $0x108  }
0x21: {  	s3 =	sadd.s32 s3, s9;
	s6 =	sadd.s32 @!p0 $0x88, s6;
	s7 =	simm.s32 @p2 $0x1082  }
0x22: {  	[simem:s7], [sflag:s8] =	dma.local @!p0 [hbm:s6], $0xF7A  }
0x23: {  	s9 =	sor.u32 $0xD0000000, s2;
	s6 =	simm.s32 $0x108;
	_ =	swait.ge @!p0 [sflag:s8], $0x0  }
0x24: {  	s3 =	sadd.s32 $0x88, s3;
	s6 =	simm.s32 @!p1 $0x1082;
	[sflag:s4] =	ssyncset.s32 $0xFFFFF086  }
0x25: {  	[simem:s6], [sflag:s4] =	dma.local [hbm:s3], $0xF7A  }
0x26: {  	[smem:$0x3F9A] =	sst s1;
	(tag) =	ssettag s2;
	_ =	strace s9  }
0x27: {  	s1 =	sld [smem:$0x3FAA]  }
0x28: {  	s2 =	sld [smem:$0x3FAB]  }
0x29: {  	s4 =	sld [smem:$0x3FAD]  }
0x2a: {  	p0 =	seq.s32 s5, $0x0;
	s5 =	sld [smem:$0x3FAE]  }
0x2b: {  	s6 =	sld [smem:$0x3FAF]  }
0x2c: {  	s7 =	sld [smem:$0x3FB0]  }
0x2d: {  	s3 =	simm.s32 $0x108;
	s8 =	sld [smem:$0x3FB1]  }
0x2e: {  	s3 =	simm.s32 @!p0 $0x1082;
	s9 =	sld [smem:$0x3FB2]  }
0x2f: {  	lr =	sadd.s32 s0, s3;
	s0 =	sld [smem:$0x3FA9]  }
0x30: {  	s3 =	sld [smem:$0x3FAC]  }
0x31: {  	[smem:$0x3FB5] =	sst s10  }
0x32: {  	s10 =	sld [smem:$0x3FB3];
	_ =	sdelay $0x3  }
0x33: {  	p0 =	seq.s32 s10, $0x1;
	s10 =	sld [smem:$0x3FB5];
	_ =	sdelay $0x3  }
0x34: {  	[smem:$0x3FB5] =	sst s10  }
0x35: {  	s10 =	sld [smem:$0x3FB4];
	_ =	sdelay $0x3  }
0x36: {  	p1 =	seq.s32 s10, $0x1;
	s10 =	sld [smem:$0x3FB5];
	_ =	sdelay $0x3  }
0x37: {  	[smem:$0x3FB5] =	sst s10  }
0x38: {  	s10 =	sld [smem:$0x3FB6]  }
0x39: {  	_ = 	snop;
	(pc) =	sbr.ind lr, $3  }
0x3a: {  	_ = 	snop  }
0x3b: {  	_ = 	snop  }
0x3c: {  	p2 =	seq.s32 s10, $0x1;
	s10 =	sld [smem:$0x3FB5]  }
0x3d: {  	_ =	shalt  }
0x3e: {  	_ =	shalt  }
0x3f: {  	_ =	shalt  }
0x40: {  	_ =	shalt  }
0x41: {  	_ =	shalt  }
0x42: {  	_ =	shalt  }
0x43: {  	_ =	shalt  }
0x44: {  	_ =	shalt  }
0x45: {  	_ =	shalt  }
0x46: {  	_ =	shalt  }
0x47: {  	_ =	shalt  }
0x48: {  	_ =	shalt  }
0x49: {  	_ =	shalt  }
0x4a: {  	_ =	shalt  }
0x4b: {  	_ =	shalt  }
0x4c: {  	_ =	shalt  }
0x4d: {  	_ =	shalt  }
0x4e: {  	_ =	shalt  }
0x4f: {  	_ =	shalt  }
0x50: {  	_ =	shalt  }
0x51: {  	_ =	shalt  }
0x52: {  	_ =	shalt  }
0x53: {  	_ =	shalt  }
0x54: {  	_ =	shalt  }
0x55: {  	_ =	shalt  }
0x56: {  	_ =	shalt  }
0x57: {  	_ =	shalt  }
0x58: {  	_ =	shalt  }
0x59: {  	_ =	shalt  }
0x5a: {  	_ =	shalt  }
0x5b: {  	_ =	shalt  }
0x5c: {  	_ =	shalt  }
0x5d: {  	_ =	shalt  }
0x5e: {  	_ =	shalt  }
0x5f: {  	_ =	shalt  }
0x60: {  	_ =	shalt  }
0x61: {  	_ =	shalt  }
0x62: {  	_ =	shalt  }
0x63: {  	_ =	shalt  }
0x64: {  	_ =	shalt  }
0x65: {  	_ =	shalt  }
0x66: {  	_ =	shalt  }
0x67: {  	_ =	shalt  }
0x68: {  	_ =	shalt  }
0x69: {  	_ =	shalt  }
0x6a: {  	_ =	shalt  }
0x6b: {  	_ =	shalt  }
0x6c: {  	_ =	shalt  }
0x6d: {  	_ =	shalt  }
0x6e: {  	_ =	shalt  }
0x6f: {  	_ =	shalt  }
0x70: {  	_ =	shalt  }
0x71: {  	_ =	shalt  }
0x72: {  	_ =	shalt  }
0x73: {  	_ =	shalt  }
0x74: {  	_ =	shalt  }
0x75: {  	_ =	shalt  }
0x76: {  	_ =	shalt  }
0x77: {  	_ =	shalt  }
0x78: {  	_ =	shalt  }
0x79: {  	_ =	shalt  }
0x7a: {  	_ =	shalt  }
0x7b: {  	_ =	shalt  }
0x7c: {  	_ =	shalt  }
0x7d: {  	_ =	shalt  }
0x7e: {  	_ =	shalt  }
0x7f: {  	_ =	shalt  }
0x80: {  	_ =	shalt  }
0x81: {  	_ =	shalt  }
0x82: {  	_ =	shalt  }
0x83: {  	_ =	shalt  }
0x84: {  	_ =	shalt  }
0x85: {  	_ =	shalt  }
0x86: {  	_ =	shalt  }
0x87: {  	_ =	shalt  }
.Lfunc_end0:
.L_simem_size_0:
called_computation_lowered:
.L_overlay_start_0:
0x88: {  	s0 =	sld [smem:$0x3FD9]  }
0x89: {  	s1 =	sld [smem:$0x3FFE];
	_ =	sdelay $0x3  }
0x8a: {  	s0 =	sadd.s32 s1, s0  }
0x8b: {  	[smem:$0x3FC1] =	sst s0  }
0x8c: {  	_ = 	snop  }
0x8d: {  	s0 =	sld [smem:$0x3FC9]  }
0x8e: {  	s14 =	sld [smem:$0x3FD0]  }
0x8f: {  	s2 =	sld [smem:$0x3FC8]  }
0x90: {  	s3 =	sld [smem:$0x3FC7]  }
0x91: {  	s5 =	simm.s32 $0xA;
	s6 =	simm.s32 $0x10;
	s4 =	sld [smem:$0x3FC6]  }
0x92: {  	[smem:s6], [sflag:s5] =	dma.local [hbm:s14], $0x1  }
0x93: {  	_ =	swait.eq [sflag:s5], $0x1  }
0x94: {  	s15 =	sld [smem:$0x10]  }
0x95: {  	s16 =	sld [smem:$0x11]  }
0x96: {  	s7 =	sld [smem:$0x12]  }
0x97: {  	s8 =	sld [smem:$0x13];
	[sflag:s5] =	ssyncset.done $0x0  }
0x98: {  	s9 =	sld [smem:$0x14];
	[sflag:s5] =	ssyncadd.s32 $0xFFFFFFFF  }
0x99: {  	s17 =	sld [smem:$0x15];
	(tm) =	ssettm $0x1  }
0x9a: {  	s10 =	sld [smem:$0x3FFB];
	_ =	sdelay $0x3  }
0x9b: {  	_ =	strace s10  }
0x9c: {  	s10 =	sld [smem:$0x3FFC];
	_ =	sdelay $0x3  }
0x9d: {  	_ =	strace s10  }
0x9e: {  	s10 =	sld [smem:$0x3FFD];
	_ =	sdelay $0x3  }
0x9f: {  	_ =	strace s10  }
0xa0: {  	_ =	strace $0x8FFFFFFF  }
0xa1: {  	s18 =	sld [smem:$0x3FDB];
	_ =	sdelay $0x1  }
0xa2: {  	s11 =	simm.s32 $_scs_section_size  }
0xa3: {  	s12 =	simm.s32 $_size__tile_overlayer_lowered;
	s13 =	simm.s32 $_tile_overlayer_lowered  }
0xa4: {  	s21 =	simm.s32 $0x1BFF;
	s20 =	sshll.u32 s13, $0x1;
	s10 =	sadd.s32 s11, s18  }
0xa5: {  	s19 =	sshll.u32 s12, $0x1;
	s14 =	simm.s32 $0x0;
	s12 =	sadd.s32 s20, s10  }
0xa6: {  	[timem:s14], [sflag:s21] =	dma.local [hbm:s12], s19  }
0xa7: {  	_ =	swait.ge [sflag:s21], s19  }
0xa8: {  	s11 =	ssub.s32 $0x0, s19;
	[sflag:s21] =	ssyncset.done $0x0  }
0xa9: {  	[sflag:s21] =	ssyncadd.s32 s11;
	_ =	sdelay $0x1  }
0xaa: {  	s22 =	simm.s32 $0x1B8B  }
0xab: {  	_ =	swait.ge [sflag:s22], $0x1  }
0xac: {  	[sflag:s22] =	ssyncset.done $0x0  }
0xad: {  	s23 =	simm.s32 $0x1B8E;
	[sflag:s22] =	ssyncadd.s32 $0xFFFFFFFF  }
0xae: {  	s24 =	simm.s32 $execute0_lowered;
	[smem:$0x3FD2] =	sst s23  }
0xaf: {  	s11 =	sshll.u32 s24, $0x1;
	_ =	strace $0x80000046;
	[dreg:$0x1] =	wrdreg $0xFFFFFFFF  }
0xb0: {  	s25 =	simm.s32 $_size_execute0_lowered;
	s10 =	sadd.s32 s10, s11;
	[dreg:$0x0] =	wrdreg $0x0  }
0xb1: {  	s11 =	sshll.u32 s25, $0x1;
	[dreg:$0x2] =	wrdreg s10  }
0xb2: {  	[dreg:$0x3] =	wrdreg s11  }
0xb3: {  	[dreg:$0x4] =	wrdreg $0xC0  }
0xb4: {  	_ =	task [dreg:s14], $0x5FFFF  }
0xb5: {  	[dreg:$0x1] =	wrdreg $0xFFFFFFFF  }
0xb6: {  	[dreg:$0x0] =	wrdreg $0x60  }
0xb7: {  	[dreg:$0x2] =	wrdreg s0  }
0xb8: {  	[dreg:$0x3] =	wrdreg s2  }
0xb9: {  	[dreg:$0x4] =	wrdreg s3  }
0xba: {  	[dreg:$0x5] =	wrdreg s4  }
0xbb: {  	[dreg:$0x6] =	wrdreg s9  }
0xbc: {  	[dreg:$0x7] =	wrdreg s15  }
0xbd: {  	[dreg:$0x8] =	wrdreg s16  }
0xbe: {  	[dreg:$0x9] =	wrdreg s7  }
0xbf: {  	[dreg:$0xa] =	wrdreg s8  }
0xc0: {  	[dreg:$0xb] =	wrdreg s17  }
0xc1: {  	[dreg:$0xc] =	wrdreg $0xA000  }
0xc2: {  	[dreg:$0xd] =	wrdreg $0x9  }
0xc3: {  	_ =	task.clear_ibuf [dreg:s14], $0xEFFFF;
	_ =	strace $0x90000046  }
0xc4: {  	s26 =	simm.s32 $0x9;
	_ =	strace $0x80000048  }
0xc5: {  	_ =	swait.ge [sflag:s26], $0x1  }
0xc6: {  	[sflag:s26] =	ssyncadd.s32 $0xFFFFFFFF  }
0xc7: {  	_ =	strace $0x90000048  }
0xc8: {  	_ =	sfence  }
0xc9: {  	s28 =	sld [smem:$0x0];
	_ =	sdelay $0x1  }
0xca: {  	s29 =	srdreg.scid  }
0xcb: {  	s30 =	sshll.u32 s29, $0xD;
	s31 =	sshrl.u32 s29, $0x2  }
0xcc: {  	s1 =	sand.u32 $0x1, s29;
	s2 =	sand.u32 $0x4000, s30;
	s0 =	sadd.s32 s31, s28  }
0xcd: {  	s1 =	sor.u32 s2, s1;
	s0 =	sshll.u32 s0, $0x11  }
0xce: {  	s0 =	sor.u32 s0, s1  }
0xcf: {  	s0 =	sadd.s32 $0x8F2B, s0  }
0xd0: {  	[sflag:s0] =	ssyncadd.remote.s32 $0x1  }
0xd1: {  	_ =	sfence.sel $0xFFFF  }
0xd2: {  	[dreg:$0x0] =	wrdreg $0xFFFFFFFF;
	(pc) =	sbr.abs _section_cstart, $3  }
0xd3: {  	[dreg:$0x1] =	wrdreg $0xFFFFFFFF  }
0xd4: {  	_ =	task.clear_ibuf [dreg:s14], $0x2FFFF;
	_ =	strace $0x9FFFFFFF  }
0xd5: {  	(tm) =	ssettm $0x7FFFFFFF  }
tec
execute0_lowered:
.L_overlay_start_1:
0x0: {  	(tag) =	ssettag $0x1  }
0x1: {  	s14 =	rddreg [dreg:$0x0]  }
0x2: {  	s15 =	rddreg [dreg:$0x1]  }
0x3: {  	s16 =	rddreg [dreg:$0x2]  }
0x4: {  	s17 =	rddreg [dreg:$0x3]  }
0x5: {  	s11 =	rddreg [dreg:$0x4]  }
0x6: {  	s10 =	rddreg [dreg:$0x5]  }
0x7: {  	s9 =	rddreg [dreg:$0x6]  }
0x8: {  	s3 =	rddreg [dreg:$0x7]  }
0x9: {  	s2 =	rddreg [dreg:$0x8]  }
0xa: {  	s1 =	rddreg [dreg:$0x9]  }
0xb: {  	s6 =	rddreg [dreg:$0xa]  }
0xc: {  	s0 =	rddreg [dreg:$0xb];
	s8 =	simm.s32 $0x0  }
0xd: {  	s4 =	stileid.u32;
	s12 =	simm.s32 $0x900;
	[smem:$0x7FF] =	sst s8  }
0xe: {  	s7 =	sshll.u32 s4, $0xB;
	s5 =	sshll.u32 s4, $0x8;
	_ =	strace $0x80000047  }
0xf: {  	[tilespmem:s12], [sflag:$0x1] =	stream.linear.gather [hbm4b:s11+s8], $0x80, $0x38;
	[tilespmem:$0x73C0] =	vst v63  }
0x10: {  	s13 =	sadd.s32 s15, s5;
	s11 =	sshll.u32 s4, $0x5;
	s12 =	smin.u32 s7, $0x67F8  }
0x11: {  	[tilespmem:s8], [sflag:$0x2] =	stream.linear.gather [hbm4b:s13+s8], $0x800, $0x38;
	[tilespmem:$0x73C0] =	vst v63  }
0x12: {  	s18 =	sadd.s32 s17, s11;
	s19 =	sshrl.u32 s12, $0x3;
	s13 =	simm.s32 $0x800  }
0x13: {  	[tilespmem:s13], [sflag:$0x2] =	stream.linear.gather [hbm4b:s18+s8], $0x100, $0x38;
	[tilespmem:$0x73C0] =	vst v63  }
0x14: {  	s20 =	simm.s32 $0xE40;
	s22 =	sadd.s32 s14, s19  }
0x15: {  	[tilespmem:s20], [sflag:$0x3] =	stream.linear.gather [hbm4b:s22+s8], $0x1808, $0x38;
	[tilespmem:$0x73C0] =	vst v63  }
0x16: {  	s24 =	simm.s32 $0x36C0;
	s23 =	sadd.s32 s15, s19  }
0x17: {  	[tilespmem:s24], [sflag:$0x3] =	stream.linear.gather [hbm4b:s23+s8], $0x1808, $0x38;
	[tilespmem:$0x73C0] =	vst v63  }
0x18: {  	s25 =	simm.s32 $0x2648  }
0x19: {  	[tilespmem:s25], [sflag:$0x4] =	stream.linear.gather [hbm4b:s16+s8], $0x1000, $0x38;
	[tilespmem:$0x73C0] =	vst v63  }
0x1a: {  	s26 =	simm.s32 $0x4EC8;
	v0 =	vimm.s32 $0x0;
	v1 =	vimm.s32 $0x100  }
0x1b: {  	v2 =	vimm.s32 $0x800;
	v14 =	vadd.s32 v0, v1;
	[tilespmem:s26], [sflag:$0x4] =	stream.linear.gather [hbm4b:s17+s8], $0x1000, $0x38;
	[tilespmem:$0x73C0] =	vst v63  }
0x1c: {  	s28 =	simm.s32 $0x5F40;
	v3 =	vadd.s32 v0, v2;
	v17 =	vshrl.u32 v14, $0x1F;
	s14 =	sadd.s32 s14, s11  }
0x1d: {  	v4 =	vshrl.u32 v3, $0x1F;
	v5 =	vadd.s32 v17, v14;
	[tilespmem:s28], [sflag:$0x4] =	stream.linear.gather [hbm4b:s14+s8], $0x100, $0x38;
	[tilespmem:$0x73C0] =	vst v63  }
0x1e: {  	s30 =	simm.s32 $0x6040;
	s31 =	simm.s32 $0x2;
	v3 =	vadd.s32 v4, v3;
	s29 =	sadd.s32 s15, s11;
	v10 =	vshra.s32 v5, $0x1  }
0x1f: {  	v11 =	vshra.s32 v3, $0x1;
	vm0 =	vgt.s32 v10, $0x0;
	[tilespmem:s30], [sflag:$0x4] =	stream.linear.gather [hbm4b:s29+s8], $0x100, $0x38;
	[tilespmem:$0x73C0] =	vst v63  }
0x20: {  	vm1 =	vgt.s32 v11, $0x0;
	v3 =	vnsel vm0, $0x0, v10;
	_ =	swait.ge [sflag:s31], $0x800  }
0x21: {  	v19 =	vnsel vm1, $0x0, v11;
	v5 =	vmin.u32 v3, $0xFF;
	[sflag:s31] =	ssyncset.done $0x0  }
0x22: {  	v8 =	vmin.u32 v19, $0x7FF;
	[sflag:s31] =	ssyncadd.s32 $0xFFFFF800  }
0x23: {  	_ =	swait.ge [sflag:s31], $0x100  }
0x24: {  	v7 =	vimm.s32 $0x0;
	v6 =	vimm.s32 $0x0;
	[sflag:s31] =	ssyncset.done $0x0  }
0x25: {  	v9 =	vimm.s32 $0x800;
	v13 =	vadd.s32 $0x1, v10;
	v16 =	vadd.s32 $0x1, v11;
	[sflag:s31] =	ssyncadd.s32 $0xFFFFFF00  }
0x26: {  	vm0 =	vlt.s32 v0, v1;
	vm1 =	vlt.s32 v0, v2;
	v3 =	vlaneseq.u32;
	v15 =	vld.idx.msk [tilespmem:v5+s13+$0x0], $0xffff  }
0x27: {  	v12 =	vmovc v11;
	v4 =	vadd.s32 $0x1, v3;
	s14 =	simm.s32 $0xB;
	v18 =	vld.idx.msk [tilespmem:v8+s8+$0x0], $0xffff;
	v5 =	vimm.s32 $0x0;
	v8 =	vimm.s32 $0x100  }
.LBB2_1:
0x28: {  	p0 =	sne.s32 s14, $0x1;
	s14 =	sadd.s32 $0xFFFFFFFF, s14;
	v19 =	vmin.u32 v19, $0x7FF;
	v14 =	vadd.s32 v17, v14  }
0x29: {  	v14 =	vshra.s32 v14, $0x1  }
0x2a: {  	vm2 =	vgt.s32 v14, $0x0  }
0x2b: {  	vm3 =	vlt.s32 v15, v4;
	v15 =	vnsel vm2, $0x0, v14  }
0x2c: {  	vm2 =	vlt.s32 v18, v4;
	vm3 =	vmand vm0, vm3;
	v15 =	vmin.u32 v15, $0xFF  }
0x2d: {  	vm2 =	vmand vm1, vm2;
	v0 =	vsel vm3, v13, v0;
	vm0 =	vmxor vm0, vm3;
	v17 =	vld.idx.msk [tilespmem:v19+s8+$0x0], $0xffff  }
0x2e: {  	v7 =	vsel vm2, v16, v7;
	vm1 =	vmxor vm1, vm2;
	v1 =	vsel vm0, v10, v1  }
0x2f: {  	vm0 =	vlt.s32 v6, v9;
	v10 =	vadd.s32 v0, v1;
	v2 =	vsel vm1, v11, v2  }
0x30: {  	v16 =	vadd.s32 $0x1, v12;
	v11 =	vadd.s32 v7, v2;
	v13 =	vshrl.u32 v10, $0x1F  }
0x31: {  	vm1 =	vlt.s32 v5, v8;
	v18 =	vshrl.u32 v11, $0x1F;
	v10 =	vadd.s32 v13, v10;
	v13 =	vld.idx.msk [tilespmem:v15+s13+$0x0], $0xffff  }
0x32: {  	v11 =	vadd.s32 v18, v11;
	v10 =	vshra.s32 v10, $0x1;
	v15 =	vadd.s32 $0x1, v14  }
0x33: {  	v11 =	vshra.s32 v11, $0x1;
	vm2 =	vgt.s32 v10, $0x0;
	vm3 =	vlt.s32 v17, v3  }
0x34: {  	vm4 =	vgt.s32 v11, $0x0;
	v17 =	vnsel vm2, $0x0, v10;
	vm2 =	vmand vm0, vm3  }
0x35: {  	v18 =	vnsel vm4, $0x0, v11;
	v17 =	vmin.u32 v17, $0xFF;
	vm0 =	vmxor vm0, vm2  }
0x36: {  	v6 =	vsel vm2, v16, v6;
	v18 =	vmin.u32 v18, $0x7FF;
	v9 =	vsel vm0, v12, v9  }
0x37: {  	v12 =	vadd.s32 v6, v9;
	vm2 =	vlt.s32 v13, v3  }
.Ltmp0:
0x38: {  	vm0 =	vlt.s32 v0, v1;
	v13 =	vshrl.u32 v12, $0x1F;
	vm2 =	vmand vm1, vm2;
	(pc) =	sbr.rel @p0 .LBB2_1-.Ltmp0, $4  }
0x39: {  	v12 =	vadd.s32 v13, v12;
	v5 =	vsel vm2, v15, v5;
	vm2 =	vmxor vm1, vm2  }
0x3a: {  	vm1 =	vlt.s32 v7, v2;
	v12 =	vshra.s32 v12, $0x1;
	v8 =	vsel vm2, v14, v8;
	v15 =	vld.idx.msk [tilespmem:v17+s13+$0x0], $0xffff  }
0x3b: {  	v13 =	vadd.s32 $0x1, v10;
	vm2 =	vgt.s32 v12, $0x0;
	v14 =	vadd.s32 v5, v8;
	v18 =	vld.idx.msk [tilespmem:v18+s8+$0x0], $0xffff  }
0x3c: {  	v16 =	vadd.s32 $0x1, v11;
	v19 =	vnsel vm2, $0x0, v12;
	v17 =	vshrl.u32 v14, $0x1F  }
0x3d: {  	v1 =	vadd.s32 v17, v14  }
0x3e: {  	v1 =	vshra.s32 v1, $0x1  }
0x3f: {  	vm2 =	vgt.s32 v1, $0x0  }
0x40: {  	v2 =	vmin.u32 v19, $0x7FF;
	v10 =	vnsel vm2, $0x0, v1  }
0x41: {  	v10 =	vmin.u32 v10, $0xFF;
	_ =	sdelay $0x3  }
0x42: {  	v2 =	vld.idx.msk [tilespmem:v2+s8+$0x0], $0xffff  }
0x43: {  	v10 =	vld.idx.msk [tilespmem:v10+s13+$0x0], $0xffff;
	_ =	sdelay $0x1  }
0x44: {  	vm11 =	vlt.s32 v6, v9;
	vm15 =	vlt.s32 v15, v4;
	vm10 =	vlt.s32 v18, v4  }
0x45: {  	vm13 =	vlt.s32 v5, v8;
	vm0 =	vmand vm0, vm15;
	vm1 =	vmand vm1, vm10  }
0x46: {  	v0 =	vsel vm0, v13, v0;
	vm3 =	vlt.s32 v2, v3;
	v2 =	vsel vm1, v16, v7  }
0x47: {  	[tilespmem:$0x9B0] =	vst v0;
	v7 =	vadd.s32 $0x1, v12;
	vm12 =	vmand vm11, vm3;
	vm14 =	vlt.s32 v10, v3  }
0x48: {  	v1 =	vadd.s32 $0x1, v1;
	[tilespmem:$0x990] =	vst v2;
	v6 =	vsel vm12, v7, v6;
	vm1 =	vmand vm13, vm14  }
0x49: {  	s26 =	sshrl.u32 s5, $0x2;
	[tilespmem:$0x980] =	vst v6;
	v1 =	vsel vm1, v1, v5  }
0x4a: {  	s28 =	simm.s32 $0x980;
	s29 =	simm.s32 $0x6;
	s8 =	sadd.s32 s26, s6;
	[tilespmem:$0x9A0] =	vst v1  }
0x4b: {  	[spmem:s8] =	stream.linear.scatter [tilespmem:s28], [sflag:$0x6], $0x40, $0x38;
	[tilespmem:$0x73C0] =	vst v63  }
0x4c: {  	_ =	swait.ge [sflag:s29], $0x40  }
0x4d: {  	[sflag:s29] =	ssyncset.done $0x0  }
0x4e: {  	[sflag:s29] =	ssyncadd.s32 $0xFFFFFFC0  }
0x4f: {  	s30 =	simm.s32 $0xA40;
	[bflag:$0x0] =	sbarrier.arrive $0xFFFF  }
0x50: {  	[tilespmem:s30], [sflag:$0x6] =	stream.linear.gather [spmem:s6], $0x400, $0x38;
	[tilespmem:$0x73C0] =	vst v63  }
0x51: {  	_ =	swait.ge [sflag:s29], $0x400  }
0x52: {  	[sflag:s29] =	ssyncset.done $0x0  }
0x53: {  	s31 =	simm.s32 $0x0;
	[sflag:s29] =	ssyncadd.s32 $0xFFFFFC00  }
0x54: {  	v2 =	vld [tilespmem:s31+$0xA70]  }
0x55: {  	v1 =	vld [tilespmem:s31+$0xA40]  }
0x56: {  	v8 =	vimm.s32 $0x0;
	v7 =	vld [tilespmem:s31+$0xA50]  }
0x57: {  	v4 =	vimm.s32 $0x0;
	v6 =	vimm.s32 $0x0;
	v3 =	vimm.s32 $0x0;
	s6 =	simm.s32 $0x100;
	v5 =	vld [tilespmem:s31+$0xA60]  }
.LBB2_3:
0x58: {  	p0 =	sne.s32 s6, $0xF00  }
.Ltmp1:
0x59: {  	s8 =	sshra.s32 s6, $0x2;
	s6 =	sadd.s32 $0x100, s6;
	v3 =	vadd.s32 v3, v2;
	(pc) =	sbr.rel @p0 .LBB2_3-.Ltmp1, $4  }
0x5a: {  	v2 =	vld [tilespmem:s8+$0xA70];
	v4 =	vadd.s32 v4, v1  }
0x5b: {  	v1 =	vld [tilespmem:s8+$0xA40];
	v8 =	vadd.s32 v8, v7  }
0x5c: {  	v7 =	vld [tilespmem:s8+$0xA50];
	v6 =	vadd.s32 v6, v5  }
0x5d: {  	v5 =	vld [tilespmem:s8+$0xA60]  }
0x5e: {  	s6 =	simm.s32 $0x1  }
0x5f: {  	_ =	swait.ge [sflag:s6], $0x80  }
0x60: {  	[sflag:s6] =	ssyncset.done $0x0  }
0x61: {  	[sflag:s6] =	ssyncadd.s32 $0xFFFFFF80  }
0x62: {  	v9 =	vld [tilespmem:$0x900];
	_ =	sdelay $0x3  }
0x63: {  	vm0 =	vmmov $0x1  }
0x64: {  	v0 =	vnsel vm0, $0x0, v9  }
0x65: {  	vm1 =	vcmask $0x308;
	(xrf0) =	vadd.scan.msk.s32 $0xffff, v0  }
0x66: {  	v0 =	vsel vm1, $0x0, v9  }
0x67: {  	(xrf0) =	vadd.scan.msk.s32 $0xffff, v0;
	_ =	sdelay $0x3  }
0x68: {  	v10, _, _ =	vpop (xrf0)  }
0x69: {  	v0 =	vbroadcast v10, $0xF  }
0x6a: {  	v7 =	vadd.s32 v8, v7;
	v8, _, _ =	vpop (xrf0)  }
0x6b: {  	v2 =	vadd.s32 v3, v2;
	v3 =	vbroadcast v8, $0xF;
	vm1 =	vlt.s32 v7, v0  }
0x6c: {  	v1 =	vadd.s32 v4, v1;
	v4 =	vadd.s32 v6, v5;
	v5 =	vsel vm1, v7, v0  }
0x6d: {  	vm1 =	vlt.s32 v1, v0;
	vm2 =	vlt.s32 v2, v3;
	vm3 =	vlt.s32 v4, v3  }
0x6e: {  	v6 =	vsel vm1, v1, v0;
	v2 =	vsel vm2, v2, v3;
	v3 =	vsel vm3, v4, v3  }
0x6f: {  	v5 =	vsub.s32 v5, v6;
	v2 =	vsub.s32 v2, v3  }
0x70: {  	v3 =	vadd.s32 v4, v0;
	vm1 =	vgt.s32 v5, $0x0;
	vm2 =	vgt.s32 v2, $0x0  }
0x71: {  	v1 =	vnsel vm1, $0x8000, v1;
	v3 =	vnsel vm2, $0x8000, v3  }
0x72: {  	vm1 =	vlt.s32 v1, v3  }
0x73: {  	v1 =	vsel vm1, v1, v3  }
0x74: {  	v2 =	vadd.s32 v2, v5;
	v1 =	vxor.u32 $0x80000000, v1  }
0x75: {  	(xrf1) =	vsort.ascd.msk.u32 $0xffff, v1, v2;
	_ =	sdelay $0x8  }
0x76: {  	vm1 =	vcmask $0x70C  }
0x77: {  	v1 =	vsel vm1, $0x0, v9;
	_ =	sdelay $0x2  }
0x78: {  	(xrf0) =	vadd.scan.msk.s32 $0xffff, v1  }
0x79: {  	_, v1, _ =	vpop (xrf1)  }
0x7a: {  	(xrf0) =	vadd.scan.msk.s32 $0xffff, v1;
	_ =	sdelay $0x3  }
0x7b: {  	v2, _, _ =	vpop (xrf0)  }
0x7c: {  	v3 =	vbroadcast v2, $0xF  }
0x7d: {  	v4, _, _ =	vpop (xrf0)  }
0x7e: {  	vm2 =	vgt.s32 v1, $0x0;
	vm1 =	vle.s32 v4, v3  }
0x7f: {  	v3 =	vimm.s32 $0x0;
	vm1 =	vmand vm2, vm1  }
0x80: {  	v4 =	vxor.u32 $0x80000000, v4;
	v3 =	vsel vm1, $0x1, v3  }
0x81: {  	(xrf0) =	vadd.scan.msk.s32 $0xffff, v3;
	v3 =	vnsel vm1, $0x80000000, v4  }
0x82: {  	v1 =	vnsel vm0, $0x0, v1;
	(xrf0) =	vmax.scan.msk.u32 $0xffff, v3  }
0x83: {  	(xrf0) =	vadd.scan.msk.s32 $0xffff, v1;
	_ =	sdelay $0x1  }
0x84: {  	(v2sf) =	vpush v10, $0xF  }
0x85: {  	(v2sf) =	vpush v8, $0xF  }
0x86: {  	(v2sf) =	vpush v2, $0xF;
	v1, _, _ =	vpop (xrf0)  }
0x87: {  	v2, _, _ =	vpop (xrf0);
	(v2sf) =	vpush v1, $0xF  }
0x88: {  	(v2sf) =	vpush v2, $0xF;
	v1, _, _ =	vpop (xrf0)  }
0x89: {  	(v2sf) =	vpush v1, $0xF;
	_ =	sdelay $0x9  }
0x8a: {  	s13 =	spop (v2sf)  }
0x8b: {  	s8 =	spop (v2sf)  }
0x8c: {  	s6 =	spop (v2sf)  }
0x8d: {  	s14 =	spop (v2sf)  }
0x8e: {  	s15 =	spop (v2sf)  }
0x8f: {  	s17 =	simm.s32 $0x4;
	s16 =	spop (v2sf)  }
0x90: {  	_ =	swait.ge [sflag:s17], $0x1000  }
0x91: {  	s18 =	sadd.s32 $0x30, s5;
	[sflag:s17] =	ssyncset.done $0x0  }
0x92: {  	s19 =	sadd.s32 $0xFFFFFFE0, s18;
	v1 =	vlaneseq.u32;
	[sflag:s17] =	ssyncadd.s32 $0xFFFFF000  }
0x93: {  	v4 =	vor.u32 s19, v1;
	_ =	swait.ge [sflag:s17], $0x1000  }
0x94: {  	s25 =	sadd.s32 $0xFFFFFFD0, s18;
	v2 =	vsub.s32 v4, v0;
	[sflag:s17] =	ssyncset.done $0x0  }
0x95: {  	v3 =	vor.u32 s25, v1;
	vm0 =	vgt.s32 v2, $0x0;
	[sflag:s17] =	ssyncadd.s32 $0xFFFFF000  }
0x96: {  	s28 =	simm.s32 $0x5F60;
	v5 =	vsub.s32 v3, v0;
	v2 =	vnsel vm0, $0x0, v2;
	_ =	swait.ge [sflag:s17], $0x100  }
0x97: {  	s26 =	sadd.s32 $0xFFFFFFF0, s18;
	vm0 =	vgt.s32 v5, $0x0;
	v2 =	vmin.u32 v2, $0xFFF;
	p0 =	sgt.s32 s14, $0x0;
	[sflag:s17] =	ssyncset.done $0x0  }
0x98: {  	v5 =	vnsel vm0, $0x0, v5;
	v6 =	vadd.s32 $0x1808, v2;
	s14 =	smov.u32 s6;
	p1 =	slt.s32 s16, s6;
	[sflag:s17] =	ssyncadd.s32 $0xFFFFFF00  }
0x99: {  	v2 =	vmin.u32 v5, $0xFFF;
	s15 =	sxor.u32 $0x80000000, s15;
	s14 =	smov.u32 @p1 s16;
	_ =	swait.ge [sflag:s17], $0x100  }
0x9a: {  	s8 =	sadd.s32 s8, s13;
	v9 =	vor.u32 s26, v1;
	v5 =	vadd.s32 $0x1808, v2;
	s14 =	smov.u32 @p0 s15;
	[sflag:s17] =	ssyncset.done $0x0  }
0x9b: {  	v2 =	vsub.s32 v9, v0;
	s15 =	smov.u32 s8;
	p0 =	slt.s32 s14, s8;
	[sflag:s17] =	ssyncadd.s32 $0xFFFFFF00  }
0x9c: {  	vm0 =	vgt.s32 v2, $0x0;
	s15 =	smov.u32 @p0 s14;
	s14 =	simm.s32 $0xE40;
	v11 =	vld [tilespmem:s28+$0xFFFFFFE0]  }
0x9d: {  	s30 =	sadd.s32 $0x40, s18;
	v2 =	vnsel vm0, $0x0, v2;
	p0 =	slt.s32 s15, s6;
	v7 =	vld.idx.msk [tilespmem:v6+s14+$0x0], $0xffff  }
0x9e: {  	v14 =	vor.u32 s18, v1;
	v2 =	vmin.u32 v2, $0xFFF;
	s6 =	smov.u32 @p0 s15;
	p0 =	sgt.s32 s8, $0x0;
	s15 =	simm.s32 $0x36C0;
	v8 =	vld [tilespmem:s28+$0xFFFFFFF0]  }
0x9f: {  	s29 =	simm.s32 $0x6060;
	s18 =	sadd.s32 $0xFFFFFFD0, s30;
	v13 =	vsub.s32 v14, v0;
	vm3 =	vlt.s32 v3, v0;
	v10 =	vadd.s32 $0x1808, v2;
	s6 =	simm.s32 @!p0 $0x0;
	v12 =	vld.idx.msk [tilespmem:v5+s15+$0x0], $0xffff  }
0xa0: {  	s20 =	sadd.s32 $0xFFFFFFE0, s30;
	v19 =	vor.u32 s18, v1;
	vm2 =	vgt.s32 v13, $0x0;
	v2 =	vmov s6;
	v15 =	vld [tilespmem:s29+$0xFFFFFFF0]  }
0xa1: {  	vm0 =	vlt.s32 v4, v0;
	vm1 =	vlt.s32 v3, v2;
	v3 =	vor.u32 s20, v1;
	v16 =	vld [tilespmem:s28+$0x0]  }
0xa2: {  	vm4 =	vlt.s32 v4, v2;
	v4 =	vsub.s32 v19, v0;
	v17 =	vsub.s32 v3, v0;
	v18 =	vld [tilespmem:s29+$0xFFFFFFE0]  }
0xa3: {  	v13 =	vnsel vm2, $0x0, v13;
	vm2 =	vgt.s32 v4, $0x0;
	vm6 =	vgt.s32 v17, $0x0;
	v21 =	vld.idx.msk [tilespmem:v5+s14+$0x0], $0xffff  }
0xa4: {  	vm5 =	vlt.s32 v9, v0;
	v4 =	vnsel vm2, $0x0, v4;
	v20 =	vld.idx.msk [tilespmem:v10+s14+$0x0], $0xffff;
	v17 =	vnsel vm6, $0x0, v17  }
0xa5: {  	s31 =	sadd.s32 $0xFFFFFFF0, s30;
	v4 =	vmin.u32 v4, $0xFFF;
	v23 =	vld.idx.msk [tilespmem:v10+s15+$0x0], $0xffff;
	vm6 =	vlt.s32 v9, v2;
	v5 =	vsel vm0, v8, v7  }
0xa6: {  	v8 =	vmin.u32 v17, $0xFFF;
	v17 =	vld.idx.msk [tilespmem:v6+s15+$0x0], $0xffff;
	v7 =	vadd.s32 $0x1808, v4;
	v4 =	vor.u32 s31, v1  }
0xa7: {  	v6 =	vsel vm3, v18, v12;
	v18 =	vld [tilespmem:s29+$0x0];
	v22 =	vnsel vm4, $0xFFFFFFFF, v5;
	v5 =	vadd.s32 $0x1808, v8  }
0xa8: {  	s20 =	simm.s32 $0x5FA0;
	v9 =	vld [tilespmem:s28+$0x10];
	v21 =	vsel vm3, v11, v21;
	v8 =	vmin.u32 v13, $0xFFF;
	v12 =	vsub.s32 v4, v0  }
0xa9: {  	v10 =	vld [tilespmem:s20+$0xFFFFFFE0];
	v13 =	vsel vm5, v16, v20;
	v24 =	vadd.s32 $0x1808, v8;
	vm2 =	vgt.s32 v12, $0x0  }
0xaa: {  	s19 =	simm.s32 $0x7160;
	vm3 =	vlt.s32 v19, v0;
	v8 =	vld [tilespmem:s29+$0x10];
	v13 =	vnsel vm6, $0xFFFFFFFF, v13;
	v16 =	vnsel vm2, $0x0, v12  }
0xab: {  	[tilespmem:s19+$0xFFFFFFF0] =	vst v22;
	vm2 =	vlt.s32 v14, v2;
	v20 =	vmin.u32 v16, $0xFFF;
	v16 =	vld [tilespmem:s20+$0xFFFFFFF0];
	v11 =	vsel vm0, v15, v17  }
0xac: {  	s18 =	simm.s32 $0x7260;
	[tilespmem:s19+$0x0] =	vst v13;
	v13 =	vor.u32 s30, v1;
	v17 =	vsel vm5, v18, v23;
	v12 =	vld.idx.msk [tilespmem:v5+s14+$0x0], $0xffff;
	v15 =	vnsel vm4, $0xFFFFFFFF, v11  }
0xad: {  	v11 =	vadd.s32 $0x1808, v20;
	v20 =	vnsel vm1, $0xFFFFFFFF, v21;
	vm4 =	vlt.s32 v14, v0;
	v14 =	vld.idx.msk [tilespmem:v7+s15+$0x0], $0xffff;
	[tilespmem:s18+$0xFFFFFFF0] =	vst v15  }
0xae: {  	s21 =	simm.s32 $0x4;
	s22 =	simm.s32 $0x60A0;
	v6 =	vnsel vm1, $0xFFFFFFFF, v6;
	v18 =	vsub.s32 v13, v0;
	v15 =	vnsel vm6, $0xFFFFFFFF, v17;
	v17 =	vld.idx.msk [tilespmem:v24+s14+$0x0], $0xffff;
	[tilespmem:s19+$0xFFFFFFE0] =	vst v20  }
0xaf: {  	s23 =	sadd.s32 $0x40, s30;
	s16 =	simm.s32 $0x72A0;
	s17 =	simm.s32 $0x71A0;
	vm0 =	vlt.s32 v3, v0;
	vm1 =	vlt.s32 v19, v2;
	vm7 =	vgt.s32 v18, $0x0;
	[tilespmem:s18+$0x0] =	vst v15;
	v15 =	vld.idx.msk [tilespmem:v24+s15+$0x0], $0xffff  }
.LBB2_5:
0xb0: {  	s24 =	sadd.s32 $0xFFFFFFD0, s23;
	s25 =	sadd.s32 $0xFFFFFFE0, s23;
	s26 =	sadd.s32 $0xFFFFFFF0, s23;
	vm5 =	vlt.s32 v3, v2;
	v19 =	vld [tilespmem:s22+$0xFFFFFFF0];
	vm6 =	vlt.s32 v4, v0;
	v18 =	vnsel vm7, $0x0, v18;
	v20 =	vmovc v10;
	v21 =	vmovc v13  }
0xb1: {  	s21 =	sadd.s32 $0x4, s21;
	v22 =	vor.u32 s24, v1;
	v3 =	vor.u32 s25, v1;
	v10 =	vsel vm0, v16, v12;
	v12 =	vld [tilespmem:s20+$0x0]  }
0xb2: {  	p0 =	slt.u32 s21, $0xC;
	v13 =	vsub.s32 v22, v0;
	v16 =	vsub.s32 v3, v0;
	v23 =	vld [tilespmem:s22+$0xFFFFFFE0];
	v10 =	vnsel vm5, $0xFFFFFFFF, v10  }
0xb3: {  	v9 =	vsel vm4, v9, v17;
	vm7 =	vgt.s32 v13, $0x0;
	vm8 =	vgt.s32 v16, $0x0;
	v24 =	vld.idx.msk [tilespmem:v11+s14+$0x0], $0xffff  }
0xb4: {  	v13 =	vnsel vm7, $0x0, v13;
	v16 =	vnsel vm8, $0x0, v16;
	v17 =	vld.idx.msk [tilespmem:v7+s14+$0x0], $0xffff;
	[tilespmem:s18+$0xFFFFFFE0] =	vst v6;
	v6 =	vnsel vm2, $0xFFFFFFFF, v9  }
0xb5: {  	v8 =	vsel vm4, v8, v15;
	v7 =	vmin.u32 v13, $0xFFF;
	v9 =	vmin.u32 v16, $0xFFF;
	v13 =	vld.idx.msk [tilespmem:v5+s15+$0x0], $0xffff;
	[tilespmem:s19+$0x10] =	vst v6;
	s19 =	smov.u32 s17  }
0xb6: {  	v6 =	vnsel vm2, $0xFFFFFFFF, v8;
	v7 =	vadd.s32 $0x1808, v7;
	v5 =	vadd.s32 $0x1808, v9;
	[tilespmem:s17+$0xFFFFFFF0] =	vst v10;
	v11 =	vld.idx.msk [tilespmem:v11+s15+$0x0], $0xffff  }
0xb7: {  	v10 =	vor.u32 s26, v1;
	v9 =	vmin.u32 v18, $0xFFF;
	v8 =	vsel vm3, v23, v14;
	v14 =	vld [tilespmem:s22+$0x0];
	[tilespmem:s18+$0x10] =	vst v6;
	s18 =	smov.u32 s16  }
0xb8: {  	v15 =	vsub.s32 v10, v0;
	v23 =	vadd.s32 $0x1808, v9;
	v6 =	vnsel vm1, $0xFFFFFFFF, v8;
	v8 =	vld [tilespmem:s22+$0x10]  }
0xb9: {  	vm4 =	vlt.s32 v4, v2;
	v4 =	vmovc v10;
	vm2 =	vgt.s32 v15, $0x0;
	v12 =	vsel vm6, v12, v24;
	v9 =	vld [tilespmem:s20+$0x10];
	s20 =	sadd.s32 $0x40, s20  }
0xba: {  	v15 =	vnsel vm2, $0x0, v15;
	v16 =	vnsel vm4, $0xFFFFFFFF, v12;
	vm2 =	vlt.s32 v21, v2;
	v10 =	vld [tilespmem:s20+$0xFFFFFFE0]  }
.Ltmp2:
0xbb: {  	v20 =	vsel vm3, v20, v17;
	v15 =	vmin.u32 v15, $0xFFF;
	v13 =	vsel vm0, v19, v13;
	v12 =	vld.idx.msk [tilespmem:v5+s14+$0x0], $0xffff;
	[tilespmem:s17+$0x0] =	vst v16;
	(pc) =	sbr.rel @p0 .LBB2_5-.Ltmp2, $4  }
0xbc: {  	vm0 =	vlt.s32 v3, v0;
	v17 =	vnsel vm5, $0xFFFFFFFF, v13;
	v16 =	vld [tilespmem:s20+$0xFFFFFFF0];
	v14 =	vsel vm6, v14, v11  }
0xbd: {  	v13 =	vor.u32 s23, v1;
	v11 =	vadd.s32 $0x1808, v15;
	[tilespmem:s16+$0xFFFFFFF0] =	vst v17;
	v14 =	vnsel vm4, $0xFFFFFFFF, v14;
	v17 =	vld.idx.msk [tilespmem:v23+s14+$0x0], $0xffff  }
0xbe: {  	v19 =	vnsel vm1, $0xFFFFFFFF, v20;
	v18 =	vsub.s32 v13, v0;
	vm4 =	vlt.s32 v21, v0;
	s16 =	sadd.s32 $0x40, s16;
	[tilespmem:s18+$0x0] =	vst v14;
	v15 =	vld.idx.msk [tilespmem:v23+s15+$0x0], $0xffff  }
0xbf: {  	s22 =	sadd.s32 $0x40, s22;
	vm3 =	vlt.s32 v22, v0;
	vm1 =	vlt.s32 v22, v2;
	s23 =	sadd.s32 $0x40, s23;
	s17 =	sadd.s32 $0x40, s17;
	vm7 =	vgt.s32 v18, $0x0;
	v14 =	vld.idx.msk [tilespmem:v7+s15+$0x0], $0xffff;
	[tilespmem:s19+$0xFFFFFFE0] =	vst v19  }
0xc0: {  	_ = 	snop  }
0xc1: {  	v1 =	vld [tilespmem:s22+$0xFFFFFFF0]  }
0xc2: {  	v19 =	vld [tilespmem:s20+$0x0]  }
0xc3: {  	v20 =	vld [tilespmem:s22+$0xFFFFFFE0]  }
0xc4: {  	v21 =	vld.idx.msk [tilespmem:v11+s14+$0x0], $0xffff  }
0xc5: {  	v7 =	vld.idx.msk [tilespmem:v7+s14+$0x0], $0xffff  }
0xc6: {  	v18 =	vnsel vm7, $0x0, v18;
	v5 =	vld.idx.msk [tilespmem:v5+s15+$0x0], $0xffff  }
0xc7: {  	v11 =	vld.idx.msk [tilespmem:v11+s15+$0x0], $0xffff;
	vm5 =	vlt.s32 v3, v2;
	vm6 =	vlt.s32 v4, v0;
	v18 =	vmin.u32 v18, $0xFFF  }
0xc8: {  	v22 =	vld [tilespmem:s22+$0x0];
	v12 =	vsel vm0, v16, v12;
	v18 =	vadd.s32 $0x1808, v18;
	v9 =	vsel vm4, v9, v17  }
0xc9: {  	v12 =	vnsel vm5, $0xFFFFFFFF, v12;
	v9 =	vnsel vm2, $0xFFFFFFFF, v9;
	v8 =	vsel vm4, v8, v15  }
0xca: {  	vm4 =	vlt.s32 v4, v2;
	v8 =	vnsel vm2, $0xFFFFFFFF, v8;
	vm2 =	vlt.s32 v13, v2  }
0xcb: {  	v23 =	vld [tilespmem:s22+$0x10];
	[tilespmem:s18+$0xFFFFFFE0] =	vst v6;
	v14 =	vsel vm3, v20, v14;
	v4 =	vsel vm6, v19, v21;
	v2 =	vsel vm3, v10, v7  }
0xcc: {  	v3 =	vld [tilespmem:s20+$0x10];
	[tilespmem:s17+$0xFFFFFFF0] =	vst v12;
	v1 =	vsel vm0, v1, v5;
	vm0 =	vlt.s32 v13, v0;
	v14 =	vnsel vm1, $0xFFFFFFFF, v14  }
0xcd: {  	s31 =	ssub.s32 s6, s13;
	[tilespmem:s19+$0x10] =	vst v9;
	s19 =	sadd.s32 $0x70, s7;
	v17 =	vnsel vm4, $0xFFFFFFFF, v4;
	v6 =	vnsel vm5, $0xFFFFFFFF, v1;
	v1 =	vsel vm6, v22, v11;
	v16 =	vld.idx.msk [tilespmem:v18+s14+$0x0], $0xffff  }
0xce: {  	[tilespmem:s18+$0x10] =	vst v8;
	s20 =	sadd.s32 $0xFFFFFF90, s19;
	s22 =	sadd.s32 $0xFFFFFFC0, s19;
	v9 =	vnsel vm1, $0xFFFFFFFF, v2;
	v4 =	vlaneseq.u32;
	v15 =	vld.idx.msk [tilespmem:v18+s15+$0x0], $0xffff;
	v7 =	vnsel vm4, $0xFFFFFFFF, v1;
	s15 =	sadd.s32 $0x1808, s31  }
0xcf: {  	s21 =	sadd.s32 $0xFFFFFFA0, s19;
	[tilespmem:s17+$0x0] =	vst v17;
	v5 =	vor.u32 s20, v4;
	v13 =	vor.u32 s22, v4;
	v2 =	vmov s15  }
0xd0: {  	s23 =	sadd.s32 $0xFFFFFFB0, s19;
	[tilespmem:s16+$0xFFFFFFF0] =	vst v6;
	v6 =	vor.u32 s21, v4;
	v17 =	vor.u32 s19, v4;
	v8 =	vadd.s32 v2, v13  }
0xd1: {  	[tilespmem:s16+$0x0] =	vst v7;
	v7 =	vor.u32 s23, v4;
	v18 =	vadd.s32 v2, v17;
	vm4 =	vgt.s32 v8, $0x1808  }
0xd2: {  	s12 =	ssub.s32 s6, s12;
	s24 =	sadd.s32 $0xFFFFFFD0, s19;
	v20 =	vadd.s32 v2, v5;
	v8 =	vnsel vm4, $0x1808, v8;
	v0 =	vsel vm0, v3, v16  }
0xd3: {  	s25 =	sadd.s32 $0xFFFFFFF0, s19;
	v1 =	vsel vm0, v23, v15;
	v3 =	vmov s12;
	v15 =	vor.u32 s24, v4  }
0xd4: {  	s8 =	ssub.s32 s8, s6;
	s14 =	ssub.s32 s13, s6;
	v16 =	vor.u32 s25, v4;
	v62 =	vmin.u32 v8, $0x2807;
	v10 =	vnsel vm2, $0xFFFFFFFF, v0  }
0xd5: {  	[tilespmem:s17+$0xFFFFFFE0] =	vst v9;
	v11 =	vnsel vm2, $0xFFFFFFFF, v1;
	v0 =	vmov s8;
	v1 =	vmov s14  }
0xd6: {  	[tilespmem:s16+$0xFFFFFFE0] =	vst v14;
	v9 =	vadd.s32 v3, v5;
	v12 =	vadd.s32 v2, v15;
	v14 =	vadd.s32 v2, v16  }
0xd7: {  	vm2 =	vgt.s32 v18, $0x1808;
	v61 =	vadd.s32 v3, v15;
	v63 =	vadd.s32 v3, v13;
	[tilespmem:s17+$0x10] =	vst v10  }
0xd8: {  	s10 =	sadd.s32 s10, s11;
	s26 =	simm.s32 $0x0;
	s28 =	simm.s32 $0x7140;
	v24 =	vadd.s32 v3, v16;
	vm0 =	vlt.s32 v5, v1;
	vm1 =	vgt.s32 v14, $0x1808;
	[tilespmem:s16+$0x10] =	vst v11  }
0xd9: {  	v10 =	vadd.s32 v3, v6;
	vm3 =	vlt.s32 v17, v1;
	vm4 =	vlt.s32 v16, v1;
	[hbm4b:s10+s26] =	stream.linear.scatter [tilespmem:s28], [sflag:$0x5], $0x100, $0x38;
	[tilespmem:$0x73C0] =	vst v63  }
0xda: {  	s9 =	sadd.s32 s9, s11;
	s29 =	simm.s32 $0x7240;
	s30 =	simm.s32 $0x3;
	vm5 =	vlt.s32 v13, v1;
	vm15 =	vlt.s32 v7, v1;
	v11 =	vnsel vm1, $0x1808, v14  }
0xdb: {  	vm1 =	vgt.s32 v12, $0x1808;
	v14 =	vnsel vm2, $0x1808, v18;
	v19 =	vmin.u32 v11, $0x2807;
	[hbm4b:s9+s26] =	stream.linear.scatter [tilespmem:s29], [sflag:$0x5], $0x100, $0x38;
	[tilespmem:$0x73C0] =	vst v63  }
0xdc: {  	v11 =	vmin.u32 v14, $0x2807;
	v14 =	vadd.s32 v3, v17;
	v12 =	vnsel vm1, $0x1808, v12;
	_ =	swait.ge [sflag:s30], $0x1808  }
0xdd: {  	s31 =	sadd.s32 $0xFFFFFFE0, s19;
	vm1 =	vlt.s32 v15, v1;
	v18 =	vmin.u32 v12, $0x2807;
	v11 =	vsel vm3, v14, v11;
	[sflag:s30] =	ssyncset.done $0x0  }
0xde: {  	v14 =	vadd.s32 v2, v6;
	vm3 =	vgt.s32 v20, $0x1808;
	v12 =	vor.u32 s31, v4;
	[sflag:s30] =	ssyncadd.s32 $0xFFFFE7F8  }
0xdf: {  	v8 =	vadd.s32 v2, v12;
	vm12 =	vlt.s32 v12, v1;
	vm13 =	vgt.s32 v14, $0x1808;
	_ =	swait.ge [sflag:s30], $0x1808  }
0xe0: {  	v20 =	vnsel vm3, $0x1808, v20;
	vm8 =	vgt.s32 v8, $0x1808;
	v14 =	vnsel vm13, $0x1808, v14;
	[sflag:s30] =	ssyncset.done $0x0  }
0xe1: {  	s10 =	simm.s32 $0xE40;
	v8 =	vnsel vm8, $0x1808, v8;
	v25 =	vmin.u32 v14, $0x2807;
	v14 =	vmin.u32 v20, $0x2807;
	[sflag:s30] =	ssyncadd.s32 $0xFFFFE7F8  }
0xe2: {  	v20 =	vadd.s32 v3, v12;
	v8 =	vmin.u32 v8, $0x2807;
	v14 =	vsel vm0, v9, v14;
	v26 =	vld.idx.msk [tilespmem:v11+s10+$0x0], $0xffff  }
0xe3: {  	v9 =	vsel vm1, v61, v18;
	v8 =	vsel vm12, v20, v8;
	v20 =	vadd.s32 v2, v7  }
0xe4: {  	vm2 =	vlt.s32 v6, v1;
	vm3 =	vlt.s32 v17, v0;
	vm14 =	vgt.s32 v20, $0x1808  }
0xe5: {  	vm1 =	vlt.s32 v15, v0;
	v15 =	vsel vm2, v10, v25;
	v10 =	vnsel vm14, $0x1808, v20  }
0xe6: {  	s11 =	simm.s32 $0x6180;
	vm0 =	vlt.s32 v13, v0;
	v13 =	vadd.s32 v3, v7;
	v10 =	vmin.u32 v10, $0x2807  }
0xe7: {  	s13 =	simm.s32 $0x0;
	s15 =	simm.s32 $0x6200;
	s12 =	simm.s32 $0x36C0;
	vm2 =	vlt.s32 v16, v0;
	v17 =	vld.idx.msk [tilespmem:v14+s10+$0x0], $0xffff;
	v16 =	vsel vm15, v13, v10;
	v20 =	vnsel vm3, $0xFFFFFFFF, v26  }
0xe8: {  	s14 =	sadd.s32 $0x80, s19;
	s16 =	simm.s32 $0x6A00;
	s9 =	simm.s32 $0x6980;
	v10 =	vsel vm5, v63, v62;
	v18 =	vld.idx.msk [tilespmem:v9+s10+$0x0], $0xffff;
	v13 =	vsel vm4, v24, v19;
	[tilespmem:s11+$0x30] =	vst v20  }
.LBB2_7:
0xe9: {  	s18 =	sadd.s32 $0xFFFFFF90, s14;
	s17 =	sadd.s32 $0xFFFFFFA0, s14;
	s19 =	sadd.s32 $0xFFFFFFB0, s14;
	vm6 =	vlt.s32 v6, v0;
	vm4 =	vlt.s32 v7, v0;
	vm5 =	vlt.s32 v12, v0;
	v11 =	vld.idx.msk [tilespmem:v11+s12+$0x0], $0xffff  }
0xea: {  	s20 =	sadd.s32 $0xFFFFFFC0, s14;
	s21 =	sadd.s32 $0xFFFFFFD0, s14;
	vm9 =	vlt.s32 v5, v0;
	v6 =	vor.u32 s17, v4;
	s17 =	sadd.s32 $0xFFFFFFE0, s14;
	v5 =	vor.u32 s18, v4;
	v12 =	vld.idx.msk [tilespmem:v8+s10+$0x0], $0xffff  }
0xeb: {  	s13 =	sadd.s32 $0x8, s13;
	v19 =	vor.u32 s20, v4;
	v20 =	vor.u32 s21, v4;
	s18 =	sadd.s32 $0xFFFFFFF0, s14;
	vm7 =	vlt.s32 v5, v1;
	v21 =	vld.idx.msk [tilespmem:v15+s10+$0x0], $0xffff  }
0xec: {  	v7 =	vor.u32 s19, v4;
	p0 =	slt.u32 s13, $0x38;
	v22 =	vadd.s32 v2, v19;
	v23 =	vor.u32 s18, v4;
	v24 =	vld.idx.msk [tilespmem:v16+s10+$0x0], $0xffff  }
0xed: {  	v25 =	vadd.s32 v3, v5;
	v26 =	vadd.s32 v2, v20;
	v27 =	vadd.s32 v2, v23  }
0xee: {  	v28 =	vor.u32 s14, v4;
	vm8 =	vgt.s32 v27, $0x1808;
	v18 =	vnsel vm1, $0xFFFFFFFF, v18  }
0xef: {  	v30 =	vadd.s32 v2, v28;
	v29 =	vadd.s32 v3, v6;
	v27 =	vnsel vm8, $0x1808, v27;
	[tilespmem:s11+$0x0] =	vst v18  }
0xf0: {  	vm10 =	vgt.s32 v26, $0x1808;
	v17 =	vnsel vm9, $0xFFFFFFFF, v17;
	vm8 =	vgt.s32 v30, $0x1808;
	v18 =	vld.idx.msk [tilespmem:v13+s10+$0x0], $0xffff  }
0xf1: {  	v11 =	vnsel vm3, $0xFFFFFFFF, v11;
	v27 =	vmin.u32 v27, $0x2807;
	v30 =	vnsel vm8, $0x1808, v30;
	[tilespmem:s11+$0xFFFFFFC0] =	vst v17  }
0xf2: {  	vm8 =	vlt.s32 v6, v1;
	v17 =	vmin.u32 v30, $0x2807;
	v30 =	vadd.s32 v3, v28;
	v14 =	vld.idx.msk [tilespmem:v14+s12+$0x0], $0xffff;
	[tilespmem:s9+$0x30] =	vst v11  }
0xf3: {  	vm3 =	vlt.s32 v28, v1;
	v21 =	vnsel vm6, $0xFFFFFFFF, v21;
	v11 =	vnsel vm10, $0x1808, v26  }
0xf4: {  	vm10 =	vlt.s32 v20, v1;
	v26 =	vmin.u32 v11, $0x2807;
	v11 =	vnsel vm5, $0xFFFFFFFF, v12;
	[tilespmem:s11+$0xFFFFFFD0] =	vst v21;
	v21 =	vld.idx.msk [tilespmem:v10+s10+$0x0], $0xffff  }
0xf5: {  	v31 =	vadd.s32 v2, v5;
	v32 =	vadd.s32 v3, v20;
	vm11 =	vgt.s32 v22, $0x1808;
	[tilespmem:s11+$0x10] =	vst v11  }
0xf6: {  	v12 =	vnsel vm11, $0x1808, v22;
	v11 =	vsel vm3, v30, v17;
	v17 =	vnsel vm4, $0xFFFFFFFF, v24;
	v15 =	vld.idx.msk [tilespmem:v15+s12+$0x0], $0xffff  }
0xf7: {  	v22 =	vadd.s32 v2, v6;
	v24 =	vmin.u32 v12, $0x2807;
	[tilespmem:s11+$0xFFFFFFE0] =	vst v17;
	v9 =	vld.idx.msk [tilespmem:v9+s12+$0x0], $0xffff;
	v17 =	vnsel vm2, $0xFFFFFFFF, v18  }
0xf8: {  	vm3 =	vgt.s32 v31, $0x1808;
	v12 =	vor.u32 s17, v4;
	v18 =	vadd.s32 v3, v19;
	v16 =	vld.idx.msk [tilespmem:v16+s12+$0x0], $0xffff  }
0xf9: {  	v33 =	vadd.s32 v3, v23;
	v30 =	vadd.s32 v2, v12;
	v14 =	vnsel vm9, $0xFFFFFFFF, v14;
	v34 =	vld.idx.msk [tilespmem:v8+s12+$0x0], $0xffff;
	[tilespmem:s11+$0x20] =	vst v17  }
0xfa: {  	vm12 =	vlt.s32 v12, v1;
	vm9 =	vlt.s32 v23, v1;
	v8 =	vnsel vm0, $0xFFFFFFFF, v21;
	[tilespmem:s9+$0xFFFFFFC0] =	vst v14  }
0xfb: {  	vm11 =	vlt.s32 v19, v1;
	vm13 =	vgt.s32 v22, $0x1808;
	vm14 =	vgt.s32 v30, $0x1808;
	[tilespmem:s11+$0xFFFFFFF0] =	vst v8;
	v13 =	vld.idx.msk [tilespmem:v13+s12+$0x0], $0xffff;
	s11 =	smov.u32 s15  }
0xfc: {  	v17 =	vnsel vm14, $0x1808, v30;
	v14 =	vnsel vm13, $0x1808, v22;
	v8 =	vnsel vm3, $0x1808, v31;
	v10 =	vld.idx.msk [tilespmem:v10+s12+$0x0], $0xffff  }
0xfd: {  	v21 =	vmin.u32 v14, $0x2807;
	v14 =	vmin.u32 v17, $0x2807;
	v17 =	vadd.s32 v3, v12  }
0xfe: {  	v15 =	vnsel vm6, $0xFFFFFFFF, v15;
	v22 =	vmin.u32 v8, $0x2807;
	v8 =	vsel vm12, v17, v14  }
0xff: {  	v14 =	vsel vm7, v25, v22;
	v22 =	vld.idx.msk [tilespmem:v11+s10+$0x0], $0xffff;
	[tilespmem:s9+$0xFFFFFFD0] =	vst v15;
	v15 =	vnsel vm4, $0xFFFFFFFF, v16;
	v16 =	vnsel vm5, $0xFFFFFFFF, v34  }
0x100: {  	vm3 =	vlt.s32 v28, v0;
	[tilespmem:s9+$0xFFFFFFE0] =	vst v15;
	v15 =	vnsel vm1, $0xFFFFFFFF, v9;
	vm1 =	vlt.s32 v20, v0  }
0x101: {  	v17 =	vadd.s32 v2, v7;
	v9 =	vsel vm10, v32, v26;
	v13 =	vnsel vm2, $0xFFFFFFFF, v13;
	[tilespmem:s9+$0x0] =	vst v15  }
.Ltmp3:
0x102: {  	vm2 =	vgt.s32 v17, $0x1808;
	v10 =	vnsel vm0, $0xFFFFFFFF, v10;
	vm0 =	vlt.s32 v19, v0;
	[tilespmem:s9+$0x10] =	vst v16;
	(pc) =	sbr.rel @p0 .LBB2_7-.Ltmp3, $4  }
0x103: {  	v15 =	vsel vm8, v29, v21;
	v19 =	vadd.s32 v3, v7;
	v16 =	vnsel vm2, $0x1808, v17;
	[tilespmem:s9+$0xFFFFFFF0] =	vst v10  }
0x104: {  	vm4 =	vlt.s32 v7, v1;
	vm2 =	vlt.s32 v23, v0;
	v10 =	vmin.u32 v16, $0x2807;
	[tilespmem:s9+$0x20] =	vst v13;
	s9 =	smov.u32 s16  }
0x105: {  	v16 =	vsel vm4, v19, v10;
	v10 =	vsel vm11, v18, v24;
	v19 =	vnsel vm3, $0xFFFFFFFF, v22;
	v17 =	vld.idx.msk [tilespmem:v14+s10+$0x0], $0xffff  }
0x106: {  	s14 =	sadd.s32 $0x80, s14;
	s15 =	sadd.s32 $0x80, s15;
	v13 =	vsel vm9, v33, v27;
	s16 =	sadd.s32 $0x80, s16;
	v18 =	vld.idx.msk [tilespmem:v9+s10+$0x0], $0xffff;
	[tilespmem:s11+$0x30] =	vst v19  }
0x107: {  	_ =	sdelay $0x3  }
0x108: {  	v4 =	vld.idx.msk [tilespmem:v15+s10+$0x0], $0xffff  }
0x109: {  	v19 =	vld.idx.msk [tilespmem:v16+s10+$0x0], $0xffff  }
0x10a: {  	v11 =	vld.idx.msk [tilespmem:v11+s12+$0x0], $0xffff;
	vm4 =	vlt.s32 v5, v0  }
0x10b: {  	v5 =	vld.idx.msk [tilespmem:v8+s10+$0x0], $0xffff;
	vm5 =	vlt.s32 v6, v0;
	v6 =	vnsel vm4, $0xFFFFFFFF, v17  }
0x10c: {  	vm6 =	vlt.s32 v7, v0;
	v17 =	vld.idx.msk [tilespmem:v13+s10+$0x0], $0xffff;
	[tilespmem:s11+$0xFFFFFFC0] =	vst v6;
	v7 =	vnsel vm1, $0xFFFFFFFF, v18  }
0x10d: {  	v6 =	vld.idx.msk [tilespmem:v10+s10+$0x0], $0xffff;
	v4 =	vnsel vm5, $0xFFFFFFFF, v4;
	[tilespmem:s11+$0x0] =	vst v7  }
0x10e: {  	v14 =	vld.idx.msk [tilespmem:v14+s12+$0x0], $0xffff;
	v7 =	vnsel vm6, $0xFFFFFFFF, v19;
	[tilespmem:s11+$0xFFFFFFD0] =	vst v4  }
0x10f: {  	vm7 =	vlt.s32 v12, v0;
	[tilespmem:s11+$0xFFFFFFE0] =	vst v7;
	v7 =	vld.idx.msk [tilespmem:v9+s12+$0x0], $0xffff  }
0x110: {  	v5 =	vnsel vm7, $0xFFFFFFFF, v5;
	v4 =	vld.idx.msk [tilespmem:v15+s12+$0x0], $0xffff  }
0x111: {  	[tilespmem:s11+$0x10] =	vst v5;
	v9 =	vld.idx.msk [tilespmem:v16+s12+$0x0], $0xffff  }
0x112: {  	v8 =	vld.idx.msk [tilespmem:v8+s12+$0x0], $0xffff;
	v5 =	vnsel vm2, $0xFFFFFFFF, v17  }
0x113: {  	[tilespmem:s11+$0x20] =	vst v5;
	v5 =	vnsel vm0, $0xFFFFFFFF, v6  }
0x114: {  	[tilespmem:s11+$0xFFFFFFF0] =	vst v5  }
0x115: {  	v6 =	vld.idx.msk [tilespmem:v10+s12+$0x0], $0xffff;
	v10 =	vnsel vm3, $0xFFFFFFFF, v11  }
0x116: {  	s15 =	sadd.s32 $0x470, s7;
	v5 =	vld.idx.msk [tilespmem:v13+s12+$0x0], $0xffff;
	v11 =	vnsel vm4, $0xFFFFFFFF, v14;
	v13 =	vnsel vm1, $0xFFFFFFFF, v7;
	v12 =	vnsel vm5, $0xFFFFFFFF, v4  }
0x117: {  	s21 =	sadd.s32 $0xFFFFFFC0, s15;
	s22 =	sadd.s32 $0xFFFFFFB0, s15;
	s23 =	sadd.s32 $0xFFFFFFD0, s15;
	v9 =	vnsel vm6, $0xFFFFFFFF, v9;
	v8 =	vnsel vm7, $0xFFFFFFFF, v8;
	v4 =	vlaneseq.u32  }
0x118: {  	s24 =	sadd.s32 $0xFFFFFFF0, s15;
	v16 =	vor.u32 s21, v4;
	v17 =	vor.u32 s23, v4;
	v7 =	vor.u32 s22, v4  }
0x119: {  	v19 =	vor.u32 s24, v4;
	v21 =	vor.u32 s15, v4;
	v18 =	vadd.s32 v2, v16  }
0x11a: {  	v22 =	vadd.s32 v2, v17;
	v23 =	vadd.s32 v2, v19;
	v24 =	vadd.s32 v2, v21  }
0x11b: {  	[tilespmem:s9+$0xFFFFFFE0] =	vst v9;
	v9 =	vadd.s32 v3, v21;
	vm3 =	vlt.s32 v21, v1;
	v61 =	vadd.s32 v3, v17  }
0x11c: {  	v62 =	vadd.s32 v3, v16;
	v25 =	vadd.s32 v3, v19;
	vm5 =	vlt.s32 v16, v1  }
0x11d: {  	s7 =	sadd.s32 $0xFFFFFF90, s15;
	v63 =	vadd.s32 v2, v7;
	vm15 =	vlt.s32 v7, v1;
	v14 =	vnsel vm2, $0xFFFFFFFF, v5  }
0x11e: {  	v5 =	vor.u32 s7, v4;
	vm1 =	vgt.s32 v23, $0x1808;
	vm2 =	vgt.s32 v24, $0x1808  }
0x11f: {  	s20 =	sadd.s32 $0xFFFFFFA0, s15;
	[tilespmem:s9+$0x30] =	vst v10;
	vm4 =	vgt.s32 v18, $0x1808;
	vm14 =	vgt.s32 v63, $0x1808;
	v15 =	vnsel vm0, $0xFFFFFFFF, v6  }
0x120: {  	[tilespmem:s9+$0xFFFFFFC0] =	vst v11;
	v6 =	vor.u32 s20, v4;
	vm0 =	vlt.s32 v5, v1;
	v20 =	vadd.s32 v3, v5  }
0x121: {  	[tilespmem:s9+$0xFFFFFFD0] =	vst v12;
	v11 =	vnsel vm1, $0x1808, v23;
	vm1 =	vgt.s32 v22, $0x1808;
	v59 =	vnsel vm2, $0x1808, v24  }
0x122: {  	[tilespmem:s9+$0x10] =	vst v8;
	v8 =	vadd.s32 v2, v5;
	v60 =	vmin.u32 v11, $0x2807;
	v12 =	vnsel vm1, $0x1808, v22  }
0x123: {  	[tilespmem:s9+$0x0] =	vst v13;
	v11 =	vmin.u32 v59, $0x2807;
	vm1 =	vlt.s32 v17, v1;
	v13 =	vmin.u32 v12, $0x2807  }
0x124: {  	s25 =	sadd.s32 $0xFFFFFFE0, s15;
	[tilespmem:s9+$0x20] =	vst v14;
	v12 =	vnsel vm4, $0x1808, v18;
	v11 =	vsel vm3, v9, v11;
	v9 =	vadd.s32 v2, v6  }
0x125: {  	s26 =	sadd.s32 s3, s5;
	s28 =	simm.s32 $0x0;
	s29 =	simm.s32 $0x6140;
	[tilespmem:s9+$0xFFFFFFF0] =	vst v15;
	vm3 =	vgt.s32 v8, $0x1808;
	v18 =	vmin.u32 v12, $0x2807;
	v12 =	vor.u32 s25, v4  }
0x126: {  	[hbm4b:s26+s28] =	stream.linear.scatter [tilespmem:s29], [sflag:$0x5], $0x400, $0x38;
	vm13 =	vgt.s32 v9, $0x1808;
	v8 =	vnsel vm3, $0x1808, v8;
	v14 =	vadd.s32 v2, v12;
	[tilespmem:$0x73C0] =	vst v63  }
0x127: {  	s30 =	sadd.s32 s2, s5;
	s31 =	simm.s32 $0x6940;
	s9 =	simm.s32 $0xE40;
	vm12 =	vlt.s32 v12, v1;
	v9 =	vnsel vm13, $0x1808, v9;
	vm8 =	vgt.s32 v14, $0x1808  }
0x128: {  	[hbm4b:s30+s28] =	stream.linear.scatter [tilespmem:s31], [sflag:$0x5], $0x400, $0x38;
	v8 =	vmin.u32 v8, $0x2807;
	v26 =	vadd.s32 v3, v12;
	v14 =	vnsel vm8, $0x1808, v14;
	[tilespmem:$0x73C0] =	vst v63  }
0x129: {  	v15 =	vmin.u32 v9, $0x2807;
	v9 =	vmin.u32 v14, $0x2807;
	v14 =	vsel vm0, v20, v8;
	v20 =	vld.idx.msk [tilespmem:v11+s9+$0x0], $0xffff  }
0x12a: {  	v10 =	vadd.s32 v3, v6;
	v8 =	vsel vm12, v26, v9;
	v9 =	vsel vm1, v61, v13  }
0x12b: {  	vm2 =	vlt.s32 v6, v1;
	vm4 =	vlt.s32 v19, v1;
	vm3 =	vlt.s32 v21, v0  }
0x12c: {  	v15 =	vsel vm2, v10, v15;
	v10 =	vnsel vm14, $0x1808, v63;
	vm2 =	vlt.s32 v19, v0  }
0x12d: {  	s13 =	simm.s32 $0x6E30;
	vm0 =	vlt.s32 v17, v0;
	v10 =	vmin.u32 v10, $0x2807;
	v13 =	vadd.s32 v3, v7  }
0x12e: {  	s14 =	simm.s32 $0x6630;
	s10 =	simm.s32 $0x36C0;
	s11 =	simm.s32 $0x65B0;
	vm1 =	vlt.s32 v16, v0;
	v16 =	vsel vm15, v13, v10;
	v17 =	vld.idx.msk [tilespmem:v14+s9+$0x0], $0xffff;
	v19 =	vnsel vm3, $0xFFFFFFFF, v20  }
0x12f: {  	s12 =	simm.s32 $0x40;
	s15 =	sadd.s32 $0x80, s15;
	s7 =	simm.s32 $0x6DB0;
	v10 =	vsel vm5, v62, v18;
	v13 =	vsel vm4, v25, v60;
	v18 =	vld.idx.msk [tilespmem:v9+s9+$0x0], $0xffff;
	[tilespmem:s11+$0x0] =	vst v19  }
.LBB2_9:
0x130: {  	s17 =	sadd.s32 $0xFFFFFF90, s15;
	s16 =	sadd.s32 $0xFFFFFFA0, s15;
	s18 =	sadd.s32 $0xFFFFFFB0, s15;
	vm6 =	vlt.s32 v6, v0;
	vm4 =	vlt.s32 v7, v0;
	vm5 =	vlt.s32 v12, v0;
	v11 =	vld.idx.msk [tilespmem:v11+s10+$0x0], $0xffff  }
0x131: {  	s19 =	sadd.s32 $0xFFFFFFC0, s15;
	s20 =	sadd.s32 $0xFFFFFFD0, s15;
	vm9 =	vlt.s32 v5, v0;
	v6 =	vor.u32 s16, v4;
	s16 =	sadd.s32 $0xFFFFFFE0, s15;
	v5 =	vor.u32 s17, v4;
	v12 =	vld.idx.msk [tilespmem:v8+s9+$0x0], $0xffff  }
0x132: {  	s12 =	sadd.s32 $0x8, s12;
	v19 =	vor.u32 s19, v4;
	v20 =	vor.u32 s20, v4;
	s17 =	sadd.s32 $0xFFFFFFF0, s15;
	vm7 =	vlt.s32 v5, v1;
	v21 =	vld.idx.msk [tilespmem:v15+s9+$0x0], $0xffff  }
0x133: {  	v7 =	vor.u32 s18, v4;
	p0 =	slt.u32 s12, $0x78;
	v22 =	vadd.s32 v2, v19;
	v23 =	vor.u32 s17, v4;
	v24 =	vld.idx.msk [tilespmem:v16+s9+$0x0], $0xffff  }
0x134: {  	v25 =	vadd.s32 v3, v5;
	v26 =	vadd.s32 v2, v20;
	v27 =	vadd.s32 v2, v23  }
0x135: {  	v28 =	vor.u32 s15, v4;
	vm8 =	vgt.s32 v27, $0x1808;
	v18 =	vnsel vm0, $0xFFFFFFFF, v18  }
0x136: {  	v30 =	vadd.s32 v2, v28;
	v29 =	vadd.s32 v3, v6;
	v27 =	vnsel vm8, $0x1808, v27;
	[tilespmem:s11+$0xFFFFFFD0] =	vst v18  }
0x137: {  	vm10 =	vgt.s32 v26, $0x1808;
	v17 =	vnsel vm9, $0xFFFFFFFF, v17;
	vm8 =	vgt.s32 v30, $0x1808;
	v18 =	vld.idx.msk [tilespmem:v13+s9+$0x0], $0xffff  }
0x138: {  	v11 =	vnsel vm3, $0xFFFFFFFF, v11;
	v27 =	vmin.u32 v27, $0x2807;
	v30 =	vnsel vm8, $0x1808, v30;
	[tilespmem:s11+$0xFFFFFF90] =	vst v17  }
0x139: {  	vm8 =	vlt.s32 v6, v1;
	v17 =	vmin.u32 v30, $0x2807;
	v30 =	vadd.s32 v3, v28;
	v14 =	vld.idx.msk [tilespmem:v14+s10+$0x0], $0xffff;
	[tilespmem:s7+$0x0] =	vst v11  }
0x13a: {  	vm3 =	vlt.s32 v28, v1;
	v21 =	vnsel vm6, $0xFFFFFFFF, v21;
	v11 =	vnsel vm10, $0x1808, v26  }
0x13b: {  	vm10 =	vlt.s32 v20, v1;
	v26 =	vmin.u32 v11, $0x2807;
	v11 =	vnsel vm5, $0xFFFFFFFF, v12;
	[tilespmem:s11+$0xFFFFFFA0] =	vst v21;
	v21 =	vld.idx.msk [tilespmem:v10+s9+$0x0], $0xffff  }
0x13c: {  	v31 =	vadd.s32 v2, v5;
	v32 =	vadd.s32 v3, v20;
	vm11 =	vgt.s32 v22, $0x1808;
	[tilespmem:s11+$0xFFFFFFE0] =	vst v11  }
0x13d: {  	v12 =	vnsel vm11, $0x1808, v22;
	v11 =	vsel vm3, v30, v17;
	v17 =	vnsel vm4, $0xFFFFFFFF, v24;
	v15 =	vld.idx.msk [tilespmem:v15+s10+$0x0], $0xffff  }
0x13e: {  	v22 =	vadd.s32 v2, v6;
	v24 =	vmin.u32 v12, $0x2807;
	[tilespmem:s11+$0xFFFFFFB0] =	vst v17;
	v9 =	vld.idx.msk [tilespmem:v9+s10+$0x0], $0xffff;
	v17 =	vnsel vm2, $0xFFFFFFFF, v18  }
0x13f: {  	vm3 =	vgt.s32 v31, $0x1808;
	v12 =	vor.u32 s16, v4;
	v18 =	vadd.s32 v3, v19;
	v16 =	vld.idx.msk [tilespmem:v16+s10+$0x0], $0xffff  }
0x140: {  	v33 =	vadd.s32 v3, v23;
	v30 =	vadd.s32 v2, v12;
	v14 =	vnsel vm9, $0xFFFFFFFF, v14;
	v34 =	vld.idx.msk [tilespmem:v8+s10+$0x0], $0xffff;
	[tilespmem:s11+$0xFFFFFFF0] =	vst v17  }
0x141: {  	vm12 =	vlt.s32 v12, v1;
	vm9 =	vlt.s32 v23, v1;
	v8 =	vnsel vm1, $0xFFFFFFFF, v21;
	[tilespmem:s7+$0xFFFFFF90] =	vst v14  }
0x142: {  	vm11 =	vlt.s32 v19, v1;
	vm13 =	vgt.s32 v22, $0x1808;
	vm14 =	vgt.s32 v30, $0x1808;
	[tilespmem:s11+$0xFFFFFFC0] =	vst v8;
	v13 =	vld.idx.msk [tilespmem:v13+s10+$0x0], $0xffff;
	s11 =	smov.u32 s14  }
0x143: {  	v17 =	vnsel vm14, $0x1808, v30;
	v14 =	vnsel vm13, $0x1808, v22;
	v8 =	vnsel vm3, $0x1808, v31;
	v10 =	vld.idx.msk [tilespmem:v10+s10+$0x0], $0xffff  }
0x144: {  	v21 =	vmin.u32 v14, $0x2807;
	v14 =	vmin.u32 v17, $0x2807;
	v17 =	vadd.s32 v3, v12  }
0x145: {  	v15 =	vnsel vm6, $0xFFFFFFFF, v15;
	v22 =	vmin.u32 v8, $0x2807;
	v8 =	vsel vm12, v17, v14  }
0x146: {  	v14 =	vsel vm7, v25, v22;
	v22 =	vld.idx.msk [tilespmem:v11+s9+$0x0], $0xffff;
	[tilespmem:s7+$0xFFFFFFA0] =	vst v15;
	v15 =	vnsel vm4, $0xFFFFFFFF, v16;
	v16 =	vnsel vm5, $0xFFFFFFFF, v34  }
0x147: {  	vm3 =	vlt.s32 v28, v0;
	[tilespmem:s7+$0xFFFFFFB0] =	vst v15;
	v15 =	vnsel vm0, $0xFFFFFFFF, v9;
	vm0 =	vlt.s32 v20, v0  }
0x148: {  	v17 =	vadd.s32 v2, v7;
	v9 =	vsel vm10, v32, v26;
	v13 =	vnsel vm2, $0xFFFFFFFF, v13;
	[tilespmem:s7+$0xFFFFFFD0] =	vst v15  }
.Ltmp4:
0x149: {  	vm2 =	vgt.s32 v17, $0x1808;
	v10 =	vnsel vm1, $0xFFFFFFFF, v10;
	vm1 =	vlt.s32 v19, v0;
	[tilespmem:s7+$0xFFFFFFE0] =	vst v16;
	(pc) =	sbr.rel @p0 .LBB2_9-.Ltmp4, $4  }
0x14a: {  	v15 =	vsel vm8, v29, v21;
	v19 =	vadd.s32 v3, v7;
	v16 =	vnsel vm2, $0x1808, v17;
	[tilespmem:s7+$0xFFFFFFC0] =	vst v10  }
0x14b: {  	vm4 =	vlt.s32 v7, v1;
	vm2 =	vlt.s32 v23, v0;
	v10 =	vmin.u32 v16, $0x2807;
	[tilespmem:s7+$0xFFFFFFF0] =	vst v13;
	s7 =	smov.u32 s13  }
0x14c: {  	v16 =	vsel vm4, v19, v10;
	v10 =	vsel vm11, v18, v24;
	v19 =	vnsel vm3, $0xFFFFFFFF, v22;
	v17 =	vld.idx.msk [tilespmem:v14+s9+$0x0], $0xffff  }
0x14d: {  	s15 =	sadd.s32 $0x80, s15;
	s14 =	sadd.s32 $0x80, s14;
	v13 =	vsel vm9, v33, v27;
	s13 =	sadd.s32 $0x80, s13;
	v18 =	vld.idx.msk [tilespmem:v9+s9+$0x0], $0xffff;
	[tilespmem:s11+$0x0] =	vst v19  }
0x14e: {  	_ =	sdelay $0x3  }
0x14f: {  	v1 =	vld.idx.msk [tilespmem:v15+s9+$0x0], $0xffff  }
0x150: {  	v2 =	vld.idx.msk [tilespmem:v16+s9+$0x0], $0xffff  }
0x151: {  	v3 =	vld.idx.msk [tilespmem:v11+s10+$0x0], $0xffff;
	vm4 =	vlt.s32 v5, v0  }
0x152: {  	v4 =	vld.idx.msk [tilespmem:v8+s9+$0x0], $0xffff;
	v51 =	vnsel vm4, $0xFFFFFFFF, v17  }
0x153: {  	vm5 =	vlt.s32 v6, v0;
	v52 =	vld.idx.msk [tilespmem:v10+s9+$0x0], $0xffff;
	v50 =	vnsel vm0, $0xFFFFFFFF, v18;
	[tilespmem:s11+$0xFFFFFF90] =	vst v51  }
0x154: {  	vm6 =	vlt.s32 v7, v0;
	v53 =	vld.idx.msk [tilespmem:v13+s9+$0x0], $0xffff;
	[tilespmem:s11+$0xFFFFFFD0] =	vst v50;
	v1 =	vnsel vm5, $0xFFFFFFFF, v1  }
0x155: {  	v54 =	vld.idx.msk [tilespmem:v14+s10+$0x0], $0xffff;
	v2 =	vnsel vm6, $0xFFFFFFFF, v2;
	[tilespmem:s11+$0xFFFFFFA0] =	vst v1  }
0x156: {  	vm7 =	vlt.s32 v12, v0;
	v55 =	vnsel vm3, $0xFFFFFFFF, v3;
	[tilespmem:s11+$0xFFFFFFB0] =	vst v2;
	v58 =	vld.idx.msk [tilespmem:v9+s10+$0x0], $0xffff  }
0x157: {  	v57 =	vnsel vm7, $0xFFFFFFFF, v4;
	[tilespmem:s7+$0x0] =	vst v55;
	v56 =	vld.idx.msk [tilespmem:v15+s10+$0x0], $0xffff  }
0x158: {  	v59 =	vnsel vm1, $0xFFFFFFFF, v52;
	[tilespmem:s11+$0xFFFFFFE0] =	vst v57;
	v2 =	vld.idx.msk [tilespmem:v16+s10+$0x0], $0xffff  }
0x159: {  	v5 =	vnsel vm2, $0xFFFFFFFF, v53;
	[tilespmem:s11+$0xFFFFFFC0] =	vst v59;
	v60 =	vld.idx.msk [tilespmem:v8+s10+$0x0], $0xffff  }
0x15a: {  	[tilespmem:s11+$0xFFFFFFF0] =	vst v5;
	v4 =	vld.idx.msk [tilespmem:v10+s10+$0x0], $0xffff;
	v1 =	vnsel vm4, $0xFFFFFFFF, v54  }
0x15b: {  	v61 =	vld.idx.msk [tilespmem:v13+s10+$0x0], $0xffff;
	[tilespmem:s7+$0xFFFFFF90] =	vst v1;
	v0 =	vnsel vm0, $0xFFFFFFFF, v58  }
0x15c: {  	v3 =	vnsel vm5, $0xFFFFFFFF, v56;
	[tilespmem:s7+$0xFFFFFFD0] =	vst v0  }
0x15d: {  	v2 =	vnsel vm6, $0xFFFFFFFF, v2;
	[tilespmem:s7+$0xFFFFFFA0] =	vst v3  }
0x15e: {  	v62 =	vnsel vm7, $0xFFFFFFFF, v60;
	[tilespmem:s7+$0xFFFFFFB0] =	vst v2  }
0x15f: {  	v63 =	vnsel vm1, $0xFFFFFFFF, v4;
	[tilespmem:s7+$0xFFFFFFE0] =	vst v62  }
0x160: {  	s5 =	sor.u32 $0x80, s5;
	p0 =	sne.s32 s4, $0x0;
	v1 =	vnsel vm2, $0xFFFFFFFF, v61;
	[tilespmem:s7+$0xFFFFFFC0] =	vst v63  }
0x161: {  	s28 =	simm.s32 $0x0;
	s29 =	simm.s32 $0x6540;
	s3 =	sadd.s32 s3, s5;
	[tilespmem:s7+$0xFFFFFFF0] =	vst v1  }
0x162: {  	vm0 =	vcmask @!p0 $0x300;
	v0 =	vmov @!p0 s6;
	[hbm4b:s3+s28] =	stream.linear.scatter [tilespmem:s29], [sflag:$0x5], $0x400, $0x38;
	[tilespmem:$0x73C0] =	vst v63  }
0x163: {  	s30 =	simm.s32 $0x6D40;
	s2 =	sadd.s32 s2, s5;
	v0 =	vnsel @!p0 vm0, $0x0, v0;
	vm0 =	vcmask @!p0 $0x704  }
0x164: {  	v0 =	vsel @!p0 vm0, s8, v0;
	[hbm4b:s2+s28] =	stream.linear.scatter [tilespmem:s30], [sflag:$0x5], $0x400, $0x38;
	[tilespmem:$0x73C0] =	vst v63  }
0x165: {  	s3 =	simm.s32 @!p0 $0x7340;
	s2 =	simm.s32 @!p0 $0x0;
	[tilespmem:$0x7340] =	vst @!p0 v0  }
0x166: {  	[hbm4b:s1+s2] =	stream.linear.scatter @!p0 [tilespmem:s3], [sflag:$0x6], $0x80, $0x38;
	[tilespmem:$0x73C0] =	vst v63  }
0x167: {  	s1 =	simm.s32 @!p0 $0x6  }
0x168: {  	_ =	swait.ge @!p0 [sflag:s1], $0x80  }
0x169: {  	[sflag:s1] =	ssyncset.done @!p0 $0x0  }
0x16a: {  	s31 =	simm.s32 $0x5;
	[sflag:s1] =	ssyncadd.s32 @!p0 $0xFFFFFF80  }
0x16b: {  	_ =	swait.ge [sflag:s31], $0x100  }
0x16c: {  	[sflag:s31] =	ssyncset.done $0x0  }
0x16d: {  	[sflag:s31] =	ssyncadd.s32 $0xFFFFFF00  }
0x16e: {  	_ =	swait.ge [sflag:s31], $0x100  }
0x16f: {  	[sflag:s31] =	ssyncset.done $0x0  }
0x170: {  	[sflag:s31] =	ssyncadd.s32 $0xFFFFFF00  }
0x171: {  	_ =	swait.ge [sflag:s31], $0x400  }
0x172: {  	[sflag:s31] =	ssyncset.done $0x0  }
0x173: {  	[sflag:s31] =	ssyncadd.s32 $0xFFFFFC00  }
0x174: {  	_ =	swait.ge [sflag:s31], $0x400  }
0x175: {  	[sflag:s31] =	ssyncset.done $0x0  }
0x176: {  	[sflag:s31] =	ssyncadd.s32 $0xFFFFFC00  }
0x177: {  	_ =	swait.ge [sflag:s31], $0x400  }
0x178: {  	[sflag:s31] =	ssyncset.done $0x0  }
0x179: {  	[sflag:s31] =	ssyncadd.s32 $0xFFFFFC00  }
0x17a: {  	_ =	swait.ge [sflag:s31], $0x400  }
0x17b: {  	[sflag:s31] =	ssyncset.done $0x0  }
0x17c: {  	[sflag:s31] =	ssyncadd.s32 $0xFFFFFC00  }
0x17d: {  	_ =	sfence.sel $0x180000  }
0x17e: {  	[bflag:$0x0] =	sbarrier.arrive $0xFFFF  }
0x17f: {  	_ =	strace $0x90000047  }
0x180: {  	s0 =	sadd.s32 @!p0 $0x100000, s0;
	[bflag:$0x2] =	sbarrier.arrive $0xFFFF  }
0x181: {  	[sflag:s0] =	ssyncadd.tile.s32 @!p0 $0x1;
	_ =	shalt  }
.Lfunc_end2:
_tile_overlayer_lowered:
.L_overlay_start_2:
0x182: {  	(tag) =	ssettag $0x2  }
0x183: {  	s0 =	rddreg [dreg:$0x0];
	s2 =	stileid.u32  }
0x184: {  	s1 =	rddreg [dreg:$0x1];
	p0 =	sne.s32 s2, $0x0  }
0x185: {  	s3 =	rddreg [dreg:$0x2];
	[bflag:$0x3] =	sbarrier.arrive $0xFFFF;
	s2 =	simm.s32 @!p0 $0x1C06  }
0x186: {  	[timem:s3], [sflag:s2] =	dma.local @!p0 [hbm:s0], s1  }
0x187: {  	s0 =	simm.s32 @!p0 $0x6  }
0x188: {  	_ =	swait.ge @!p0 [sflag:s0], s1  }
0x189: {  	s1 =	ssub.s32 @!p0 $0x0, s1;
	[sflag:s0] =	ssyncset.done @!p0 $0x0  }
0x18a: {  	[sflag:s0] =	ssyncadd.s32 @!p0 s1  }
0x18b: {  	[bflag:$0x3] =	sbarrier.arrive $0xFFFF  }
0x18c: {  	_ =	shalt  }

</sc_bundles>
